<compile_context>
chip_gen: v7x
topology: tpu7x:2x2x1
jax: 0.10.2.dev20260603
libtpu: 0.0.44.dev20260713+nightly
codegen_flags: <defaults>
</compile_context>

<pallas_src>
import functools

import jax
import jax.numpy as jnp
from jax import lax
from jax.experimental import pallas as pl
from jax.experimental.pallas import tpu as pltpu
from jax.experimental.pallas import tpu_sc as plsc

N, E, D = 10000, 320000, 128
OUT = 10

NC, NS = 2, 16
NW = NC * NS
CH = 128
NCHUNK = 79
EW = CH * NCHUNK
EPAD = EW * NW
NPAD = 10240
RPT = NPAD // NS
NTRASH = NPAD - N

_mesh = plsc.VectorSubcoreMesh(core_axis_name="c", subcore_axis_name="s")


@functools.partial(
    pl.kernel,
    mesh=_mesh,
    out_type=[
        jax.ShapeDtypeStruct((NC, NPAD), jnp.float32),
        jax.ShapeDtypeStruct((NC, NPAD), jnp.float32),
    ],
    scratch_types=[
        pltpu.VMEM((CH,), jnp.int32),
        pltpu.VMEM((CH,), jnp.float32),
        pltpu.VMEM((RPT,), jnp.float32),
        pltpu.VMEM_SHARED((NPAD,), jnp.float32),
        pltpu.VMEM_SHARED((NPAD,), jnp.float32),
    ],
)
def _deg_kernel(src_hbm, dst_hbm, dout_hbm, din_hbm, idx_v, ones_v, stage_v,
                do_sh, di_sh):
    c = lax.axis_index("c")
    s = lax.axis_index("s")
    wid = s * NC + c
    for i in range(CH // 16):
        ones_v[pl.ds(i * 16, 16)] = jnp.ones((16,), jnp.float32)
    for i in range(RPT // 16):
        stage_v[pl.ds(i * 16, 16)] = jnp.zeros((16,), jnp.float32)
    pltpu.sync_copy(stage_v, do_sh.at[pl.ds(s * RPT, RPT)])
    pltpu.sync_copy(stage_v, di_sh.at[pl.ds(s * RPT, RPT)])
    plsc.subcore_barrier()
    base = wid * EW

    def body(j, carry):
        off = base + j * CH
        pltpu.sync_copy(src_hbm.at[pl.ds(off, CH)], idx_v)
        pltpu.sync_copy(ones_v, do_sh.at[idx_v], add=True)
        pltpu.sync_copy(dst_hbm.at[pl.ds(off, CH)], idx_v)
        pltpu.sync_copy(ones_v, di_sh.at[idx_v], add=True)
        return carry

    lax.fori_loop(0, NCHUNK, body, 0)
    plsc.subcore_barrier()
    sl = pl.ds(s * RPT, RPT)
    pltpu.sync_copy(do_sh.at[sl], stage_v)
    pltpu.sync_copy(stage_v, dout_hbm.at[c, sl])
    pltpu.sync_copy(di_sh.at[sl], stage_v)
    pltpu.sync_copy(stage_v, din_hbm.at[c, sl])


@functools.partial(
    pl.kernel,
    mesh=_mesh,
    out_type=jax.ShapeDtypeStruct((NC, NPAD, D), jnp.float32),
    scratch_types=[
        pltpu.VMEM((CH,), jnp.int32),
        pltpu.VMEM((CH,), jnp.int32),
        pltpu.VMEM((CH, D), jnp.float32),
        pltpu.SemaphoreType.DMA,
        pltpu.VMEM_SHARED((NPAD, D), jnp.float32),
    ],
)
def _scatter_kernel(h_hbm, src_hbm, dst_hbm, out_hbm, si_v, di_v, rows_v, sem,
                    agg_sh):
    c = lax.axis_index("c")
    s = lax.axis_index("s")
    wid = s * NC + c

    def zrow(r, carry):
        for k in range(D // 16):
            rows_v[r, pl.ds(k * 16, 16)] = jnp.zeros((16,), jnp.float32)
        return carry

    lax.fori_loop(0, CH, zrow, 0)
    for k in range(RPT // CH):
        pltpu.sync_copy(rows_v, agg_sh.at[pl.ds(s * RPT + k * CH, CH)])
    plsc.subcore_barrier()

    base = wid * EW

    def body(j, carry):
        off = base + j * CH
        pltpu.sync_copy(src_hbm.at[pl.ds(off, CH)], si_v)
        pltpu.sync_copy(dst_hbm.at[pl.ds(off, CH)], di_v)
        pltpu.async_copy(h_hbm.at[si_v], rows_v, sem).wait()
        pltpu.sync_copy(rows_v, agg_sh.at[di_v], add=True)
        return carry

    lax.fori_loop(0, NCHUNK, body, 0)
    plsc.subcore_barrier()
    for k in range(RPT // CH):
        sl = pl.ds(s * RPT + k * CH, CH)
        pltpu.sync_copy(agg_sh.at[sl], rows_v)
        pltpu.sync_copy(rows_v, out_hbm.at[c, sl])


BLK2 = 512


def _mm_body(x_ref, wc_ref, dout_ref, din_ref, h_ref, nd_ref):
    do = dout_ref[0] + dout_ref[1] + 1.0
    di = din_ref[0] + din_ref[1] + 1.0
    ns = lax.rsqrt(do)
    nd_ref[...] = lax.rsqrt(di)
    h_ref[...] = jnp.dot(x_ref[...], wc_ref[...],
                         preferred_element_type=jnp.float32) * ns


BLK4 = 1024
G4 = NPAD // BLK4


def _head_body(part_ref, h_ref, nd_ref, bc_ref, w1_ref, b1_ref, w2_ref,
               b2_ref, w3_ref, b3_ref, out_ref, mx_ref):
    i = pl.program_id(0)
    v = (part_ref[0] + part_ref[1] + h_ref[...]) * nd_ref[...] + bc_ref[...]
    v = jnp.maximum(v, 0.0)
    rows = lax.broadcasted_iota(jnp.int32, (BLK4, 1), 0) + i * BLK4
    v = jnp.where(rows < N, v, 0.0)
    bmax = jnp.max(v, axis=0, keepdims=True)

    @pl.when(i == 0)
    def _():
        mx_ref[...] = bmax

    @pl.when(i > 0)
    def _():
        mx_ref[...] = jnp.maximum(mx_ref[...], bmax)

    @pl.when(i == G4 - 1)
    def _():
        hg = mx_ref[...]
        a = jnp.maximum(
            jnp.dot(hg, w1_ref[...], preferred_element_type=jnp.float32)
            + b1_ref[...], 0.0)
        a = jnp.maximum(
            jnp.dot(a, w2_ref[...], preferred_element_type=jnp.float32)
            + b2_ref[...], 0.0)
        out_ref[...] = jnp.dot(a, w3_ref[...],
                               preferred_element_type=jnp.float32) + b3_ref[...]


def kernel(x, edge_index, Wc, bc, W1, b1, W2, b2, W3, b3):
    src = edge_index[0]
    dst = edge_index[1]
    pad = (jnp.arange(EPAD - E, dtype=jnp.int32) % NTRASH) + N
    src_p = jnp.concatenate([src, pad])
    dst_p = jnp.concatenate([dst, pad])
    x_pad = jnp.concatenate(
        [x, jnp.zeros((NPAD - N, D), jnp.float32)], axis=0)

    dout, din = _deg_kernel(src_p, dst_p)

    h_scaled, norm_dst = pl.pallas_call(
        _mm_body,
        grid=(NPAD // BLK2,),
        in_specs=[
            pl.BlockSpec((BLK2, D), lambda i: (i, 0)),
            pl.BlockSpec((D, D), lambda i: (0, 0)),
            pl.BlockSpec((NC, BLK2, 1), lambda i: (0, i, 0)),
            pl.BlockSpec((NC, BLK2, 1), lambda i: (0, i, 0)),
        ],
        out_specs=[
            pl.BlockSpec((BLK2, D), lambda i: (i, 0)),
            pl.BlockSpec((BLK2, 1), lambda i: (i, 0)),
        ],
        out_shape=[
            jax.ShapeDtypeStruct((NPAD, D), jnp.float32),
            jax.ShapeDtypeStruct((NPAD, 1), jnp.float32),
        ],
    )(x_pad, Wc, dout.reshape(NC, NPAD, 1), din.reshape(NC, NPAD, 1))

    part = _scatter_kernel(h_scaled, src_p, dst_p)

    out = pl.pallas_call(
        _head_body,
        grid=(G4,),
        in_specs=[
            pl.BlockSpec((NC, BLK4, D), lambda i: (0, i, 0)),
            pl.BlockSpec((BLK4, D), lambda i: (i, 0)),
            pl.BlockSpec((BLK4, 1), lambda i: (i, 0)),
            pl.BlockSpec((1, D), lambda i: (0, 0)),
            pl.BlockSpec((D, 256), lambda i: (0, 0)),
            pl.BlockSpec((1, 256), lambda i: (0, 0)),
            pl.BlockSpec((256, D), lambda i: (0, 0)),
            pl.BlockSpec((1, D), lambda i: (0, 0)),
            pl.BlockSpec((D, OUT), lambda i: (0, 0)),
            pl.BlockSpec((1, OUT), lambda i: (0, 0)),
        ],
        out_specs=pl.BlockSpec((1, OUT), lambda i: (0, 0)),
        out_shape=jax.ShapeDtypeStruct((1, OUT), jnp.float32),
        scratch_shapes=[pltpu.VMEM((1, D), jnp.float32)],
    )(part, h_scaled, norm_dst, bc.reshape(1, D), W1, b1.reshape(1, 256),
      W2, b2.reshape(1, D), W3, b3.reshape(1, OUT))

    return jnp.squeeze(out)

# --- scband reference (transcript-rebuilt; emitter-appended) ---
"""Pipeline reference for scband-model-nn1-layer-7834020348010 (READ-ONLY COPY).

The authoritative reference and input builder live on the scoring server;
editing this copy changes nothing except your own understanding.
"""

import jax, jax.numpy as jnp
import numpy as np

N, E, D, H1, F1, F2, OUT = 10000, 320000, 128, 128, 256, 128, 10

def _xavier(key, shape):
    fan_in, fan_out = shape[0], shape[1]
    a = (6.0 / (fan_in + fan_out)) ** 0.5
    return jax.random.uniform(key, shape, dtype=jnp.float32, minval=-a, maxval=a)

def setup_inputs(seed: int = 0) -> dict:
    key = jax.random.key(seed)
    ks = jax.random.split(key, 10)
    x = jax.random.normal(ks[0], (N, D), dtype=jnp.float32)
    edge_index = jax.random.randint(ks[1], (2, E), 0, N, dtype=jnp.int32)
    Wc = _xavier(ks[2], (D, H1))
    bc = jnp.zeros((H1,), dtype=jnp.float32)
    W1 = _xavier(ks[3], (H1, F1))
    b1 = jnp.zeros((F1,), dtype=jnp.float32)
    W2 = _xavier(ks[4], (F1, F2))
    b2 = jnp.zeros((F2,), dtype=jnp.float32)
    W3 = _xavier(ks[5], (F2, OUT))
    b3 = jnp.zeros((OUT,), dtype=jnp.float32)
    return {"x": x, "edge_index": edge_index, "Wc": Wc, "bc": bc, "W1": W1, "b1": b1, "W2": W2, "b2": b2, "W3": W3, "b3": b3}

def reference(x, edge_index, Wc, bc, W1, b1, W2, b2, W3, b3):
    n = x.shape[0]
    loops = jnp.arange(n, dtype=edge_index.dtype)
    src = jnp.concatenate([edge_index[0], loops])
    dst = jnp.concatenate([edge_index[1], loops])
    ones = jnp.ones_like(src, dtype=x.dtype)
    deg_out = jax.ops.segment_sum(ones, src, num_segments=n)
    deg_in = jax.ops.segment_sum(ones, dst, num_segments=n)
    norm_src = jnp.where(deg_out > 0, deg_out ** -0.5, 0.0)
    norm_dst = jnp.where(deg_in > 0, deg_in ** -0.5, 0.0)
    # DGL GraphConv (norm='both'): D_in^{-1/2} A D_out^{-1/2} X W + b
    h = x @ Wc
    msg = h[src] * norm_src[src][:, None]
    agg = jax.ops.segment_sum(msg, dst, num_segments=n) * norm_dst[:, None] + bc
    h = jax.nn.relu(agg)
    # dgl.max_nodes readout over the single graph -> [1, H1]
    hg = jnp.max(h, axis=0, keepdims=True)
    a = jax.nn.relu(hg @ W1 + b1)
    a = jax.nn.relu(a @ W2 + b2)
    a = a @ W3 + b3
    # torch.cat over the single-graph list then .squeeze()
    return jnp.squeeze(a)

if __name__ == "__main__":
    import jax
    _d = setup_inputs()
    print(jax.jit(kernel)(*tuple(_d.values())))

</pallas_src>

<mosaic_0001>
#map = affine_map<(d0, d1) -> (0)>
#map1 = affine_map<(d0, d1) -> (0, 0)>
module attributes {stable_mosaic.version = 14 : i64} {
  func.func @_deg_kernel(%arg0: i32, %arg1: i32, %arg2: memref<323584xi32, #tpu.memory_space<hbm>>, %arg3: memref<323584xi32, #tpu.memory_space<hbm>>, %arg4: memref<2x10240xf32, #tpu.memory_space<hbm>>, %arg5: memref<2x10240xf32, #tpu.memory_space<hbm>>, %arg6: memref<128xi32, #tpu.memory_space<vmem>>, %arg7: memref<128xf32, #tpu.memory_space<vmem>>, %arg8: memref<640xf32, #tpu.memory_space<vmem>>, %arg9: memref<10240xf32, #tpu.memory_space<vmem_shared>>, %arg10: memref<10240xf32, #tpu.memory_space<vmem_shared>>) attributes {dimension_semantics = [#tpu.dimension_semantics<core_parallel>, #tpu.dimension_semantics<subcore_parallel>], iteration_bounds = array<i64: 2, 16>, scalar_prefetch = 0 : i64, scratch_operands = 5 : i64, tpu.core_type = #tpu.core_type<sc_vector_subcore>, window_params = [{transform_indices = #map}, {transform_indices = #map}, {transform_indices = #map1}, {transform_indices = #map1}]} {
    %mul3A = arith.constant 2 : i32
    %mul3A_0 = arith.muli %arg1, %mul3A : i32
    %add3A = arith.addi %mul3A_0, %arg0 : i32
    %broadcast_in_dim3A = arith.constant 1.000000e+00 : f32
    %broadcast_in_dim3A_1 = vector.broadcast %broadcast_in_dim3A : f32 to vector<16xf32>
    %swap3A = arith.constant 0 : index
    %swap3A_2 = tpu.vector_load %arg7[%swap3A] {strides = array<i32>} : memref<128xf32, #tpu.memory_space<vmem>>, vector<16xf32>,
    %swap3A_3 = vector.shape_cast %swap3A_2 : vector<16xf32> to vector<16xf32>
    %swap3A_4 = vector.shape_cast %broadcast_in_dim3A_1 : vector<16xf32> to vector<16xf32>
    tpu.vector_store %arg7[%swap3A], %swap3A_4 {strides = array<i32>} : memref<128xf32, #tpu.memory_space<vmem>>, vector<16xf32>,
    %broadcast_in_dim3A_5 = arith.constant 1.000000e+00 : f32
    %broadcast_in_dim3A_6 = vector.broadcast %broadcast_in_dim3A_5 : f32 to vector<16xf32>
    %swap3A_7 = arith.constant 16 : index
    %swap3A_8 = tpu.vector_load %arg7[%swap3A_7] {strides = array<i32>} : memref<128xf32, #tpu.memory_space<vmem>>, vector<16xf32>,
    %swap3A_9 = vector.shape_cast %swap3A_8 : vector<16xf32> to vector<16xf32>
    %swap3A_10 = vector.shape_cast %broadcast_in_dim3A_6 : vector<16xf32> to vector<16xf32>
    tpu.vector_store %arg7[%swap3A_7], %swap3A_10 {strides = array<i32>} : memref<128xf32, #tpu.memory_space<vmem>>, vector<16xf32>,
    %broadcast_in_dim3A_11 = arith.constant 1.000000e+00 : f32
    %broadcast_in_dim3A_12 = vector.broadcast %broadcast_in_dim3A_11 : f32 to vector<16xf32>
    %swap3A_13 = arith.constant 32 : index
    %swap3A_14 = tpu.vector_load %arg7[%swap3A_13] {strides = array<i32>} : memref<128xf32, #tpu.memory_space<vmem>>, vector<16xf32>,
    %swap3A_15 = vector.shape_cast %swap3A_14 : vector<16xf32> to vector<16xf32>
    %swap3A_16 = vector.shape_cast %broadcast_in_dim3A_12 : vector<16xf32> to vector<16xf32>
    tpu.vector_store %arg7[%swap3A_13], %swap3A_16 {strides = array<i32>} : memref<128xf32, #tpu.memory_space<vmem>>, vector<16xf32>,
    %broadcast_in_dim3A_17 = arith.constant 1.000000e+00 : f32
    %broadcast_in_dim3A_18 = vector.broadcast %broadcast_in_dim3A_17 : f32 to vector<16xf32>
    %swap3A_19 = arith.constant 48 : index
    %swap3A_20 = tpu.vector_load %arg7[%swap3A_19] {strides = array<i32>} : memref<128xf32, #tpu.memory_space<vmem>>, vector<16xf32>,
    %swap3A_21 = vector.shape_cast %swap3A_20 : vector<16xf32> to vector<16xf32>
    %swap3A_22 = vector.shape_cast %broadcast_in_dim3A_18 : vector<16xf32> to vector<16xf32>
    tpu.vector_store %arg7[%swap3A_19], %swap3A_22 {strides = array<i32>} : memref<128xf32, #tpu.memory_space<vmem>>, vector<16xf32>,
    %broadcast_in_dim3A_23 = arith.constant 1.000000e+00 : f32
    %broadcast_in_dim3A_24 = vector.broadcast %broadcast_in_dim3A_23 : f32 to vector<16xf32>
    %swap3A_25 = arith.constant 64 : index
    %swap3A_26 = tpu.vector_load %arg7[%swap3A_25] {strides = array<i32>} : memref<128xf32, #tpu.memory_space<vmem>>, vector<16xf32>,
    %swap3A_27 = vector.shape_cast %swap3A_26 : vector<16xf32> to vector<16xf32>
    %swap3A_28 = vector.shape_cast %broadcast_in_dim3A_24 : vector<16xf32> to vector<16xf32>
    tpu.vector_store %arg7[%swap3A_25], %swap3A_28 {strides = array<i32>} : memref<128xf32, #tpu.memory_space<vmem>>, vector<16xf32>,
    %broadcast_in_dim3A_29 = arith.constant 1.000000e+00 : f32
    %broadcast_in_dim3A_30 = vector.broadcast %broadcast_in_dim3A_29 : f32 to vector<16xf32>
    %swap3A_31 = arith.constant 80 : index
    %swap3A_32 = tpu.vector_load %arg7[%swap3A_31] {strides = array<i32>} : memref<128xf32, #tpu.memory_space<vmem>>, vector<16xf32>,
    %swap3A_33 = vector.shape_cast %swap3A_32 : vector<16xf32> to vector<16xf32>
    %swap3A_34 = vector.shape_cast %broadcast_in_dim3A_30 : vector<16xf32> to vector<16xf32>
    tpu.vector_store %arg7[%swap3A_31], %swap3A_34 {strides = array<i32>} : memref<128xf32, #tpu.memory_space<vmem>>, vector<16xf32>,
    %broadcast_in_dim3A_35 = arith.constant 1.000000e+00 : f32
    %broadcast_in_dim3A_36 = vector.broadcast %broadcast_in_dim3A_35 : f32 to vector<16xf32>
    %swap3A_37 = arith.constant 96 : index
    %swap3A_38 = tpu.vector_load %arg7[%swap3A_37] {strides = array<i32>} : memref<128xf32, #tpu.memory_space<vmem>>, vector<16xf32>,
    %swap3A_39 = vector.shape_cast %swap3A_38 : vector<16xf32> to vector<16xf32>
    %swap3A_40 = vector.shape_cast %broadcast_in_dim3A_36 : vector<16xf32> to vector<16xf32>
    tpu.vector_store %arg7[%swap3A_37], %swap3A_40 {strides = array<i32>} : memref<128xf32, #tpu.memory_space<vmem>>, vector<16xf32>,
    %broadcast_in_dim3A_41 = arith.constant 1.000000e+00 : f32
    %broadcast_in_dim3A_42 = vector.broadcast %broadcast_in_dim3A_41 : f32 to vector<16xf32>
    %swap3A_43 = arith.constant 112 : index
    %swap3A_44 = tpu.vector_load %arg7[%swap3A_43] {strides = array<i32>} : memref<128xf32, #tpu.memory_space<vmem>>, vector<16xf32>,
    %swap3A_45 = vector.shape_cast %swap3A_44 : vector<16xf32> to vector<16xf32>
    %swap3A_46 = vector.shape_cast %broadcast_in_dim3A_42 : vector<16xf32> to vector<16xf32>
    tpu.vector_store %arg7[%swap3A_43], %swap3A_46 {strides = array<i32>} : memref<128xf32, #tpu.memory_space<vmem>>, vector<16xf32>,
    %broadcast_in_dim3A_47 = arith.constant 0.000000e+00 : f32
    %broadcast_in_dim3A_48 = vector.broadcast %broadcast_in_dim3A_47 : f32 to vector<16xf32>
    %swap3A_49 = arith.constant 0 : index
    %swap3A_50 = tpu.vector_load %arg8[%swap3A_49] {strides = array<i32>} : memref<640xf32, #tpu.memory_space<vmem>>, vector<16xf32>,
    %swap3A_51 = vector.shape_cast %swap3A_50 : vector<16xf32> to vector<16xf32>
    %swap3A_52 = vector.shape_cast %broadcast_in_dim3A_48 : vector<16xf32> to vector<16xf32>
    tpu.vector_store %arg8[%swap3A_49], %swap3A_52 {strides = array<i32>} : memref<640xf32, #tpu.memory_space<vmem>>, vector<16xf32>,
    %broadcast_in_dim3A_53 = arith.constant 0.000000e+00 : f32
    %broadcast_in_dim3A_54 = vector.broadcast %broadcast_in_dim3A_53 : f32 to vector<16xf32>
    %swap3A_55 = arith.constant 16 : index
    %swap3A_56 = tpu.vector_load %arg8[%swap3A_55] {strides = array<i32>} : memref<640xf32, #tpu.memory_space<vmem>>, vector<16xf32>,
    %swap3A_57 = vector.shape_cast %swap3A_56 : vector<16xf32> to vector<16xf32>
    %swap3A_58 = vector.shape_cast %broadcast_in_dim3A_54 : vector<16xf32> to vector<16xf32>
    tpu.vector_store %arg8[%swap3A_55], %swap3A_58 {strides = array<i32>} : memref<640xf32, #tpu.memory_space<vmem>>, vector<16xf32>,
    %broadcast_in_dim3A_59 = arith.constant 0.000000e+00 : f32
    %broadcast_in_dim3A_60 = vector.broadcast %broadcast_in_dim3A_59 : f32 to vector<16xf32>
    %swap3A_61 = arith.constant 32 : index
    %swap3A_62 = tpu.vector_load %arg8[%swap3A_61] {strides = array<i32>} : memref<640xf32, #tpu.memory_space<vmem>>, vector<16xf32>,
    %swap3A_63 = vector.shape_cast %swap3A_62 : vector<16xf32> to vector<16xf32>
    %swap3A_64 = vector.shape_cast %broadcast_in_dim3A_60 : vector<16xf32> to vector<16xf32>
    tpu.vector_store %arg8[%swap3A_61], %swap3A_64 {strides = array<i32>} : memref<640xf32, #tpu.memory_space<vmem>>, vector<16xf32>,
    %broadcast_in_dim3A_65 = arith.constant 0.000000e+00 : f32
    %broadcast_in_dim3A_66 = vector.broadcast %broadcast_in_dim3A_65 : f32 to vector<16xf32>
    %swap3A_67 = arith.constant 48 : index
    %swap3A_68 = tpu.vector_load %arg8[%swap3A_67] {strides = array<i32>} : memref<640xf32, #tpu.memory_space<vmem>>, vector<16xf32>,
    %swap3A_69 = vector.shape_cast %swap3A_68 : vector<16xf32> to vector<16xf32>
    %swap3A_70 = vector.shape_cast %broadcast_in_dim3A_66 : vector<16xf32> to vector<16xf32>
    tpu.vector_store %arg8[%swap3A_67], %swap3A_70 {strides = array<i32>} : memref<640xf32, #tpu.memory_space<vmem>>, vector<16xf32>,
    %broadcast_in_dim3A_71 = arith.constant 0.000000e+00 : f32
    %broadcast_in_dim3A_72 = vector.broadcast %broadcast_in_dim3A_71 : f32 to vector<16xf32>
    %swap3A_73 = arith.constant 64 : index
    %swap3A_74 = tpu.vector_load %arg8[%swap3A_73] {strides = array<i32>} : memref<640xf32, #tpu.memory_space<vmem>>, vector<16xf32>,
    %swap3A_75 = vector.shape_cast %swap3A_74 : vector<16xf32> to vector<16xf32>
    %swap3A_76 = vector.shape_cast %broadcast_in_dim3A_72 : vector<16xf32> to vector<16xf32>
    tpu.vector_store %arg8[%swap3A_73], %swap3A_76 {strides = array<i32>} : memref<640xf32, #tpu.memory_space<vmem>>, vector<16xf32>,
    %broadcast_in_dim3A_77 = arith.constant 0.000000e+00 : f32
    %broadcast_in_dim3A_78 = vector.broadcast %broadcast_in_dim3A_77 : f32 to vector<16xf32>
    %swap3A_79 = arith.constant 80 : index
    %swap3A_80 = tpu.vector_load %arg8[%swap3A_79] {strides = array<i32>} : memref<640xf32, #tpu.memory_space<vmem>>, vector<16xf32>,
    %swap3A_81 = vector.shape_cast %swap3A_80 : vector<16xf32> to vector<16xf32>
    %swap3A_82 = vector.shape_cast %broadcast_in_dim3A_78 : vector<16xf32> to vector<16xf32>
    tpu.vector_store %arg8[%swap3A_79], %swap3A_82 {strides = array<i32>} : memref<640xf32, #tpu.memory_space<vmem>>, vector<16xf32>,
    %broadcast_in_dim3A_83 = arith.constant 0.000000e+00 : f32
    %broadcast_in_dim3A_84 = vector.broadcast %broadcast_in_dim3A_83 : f32 to vector<16xf32>
    %swap3A_85 = arith.constant 96 : index
    %swap3A_86 = tpu.vector_load %arg8[%swap3A_85] {strides = array<i32>} : memref<640xf32, #tpu.memory_space<vmem>>, vector<16xf32>,
    %swap3A_87 = vector.shape_cast %swap3A_86 : vector<16xf32> to vector<16xf32>
    %swap3A_88 = vector.shape_cast %broadcast_in_dim3A_84 : vector<16xf32> to vector<16xf32>
    tpu.vector_store %arg8[%swap3A_85], %swap3A_88 {strides = array<i32>} : memref<640xf32, #tpu.memory_space<vmem>>, vector<16xf32>,
    %broadcast_in_dim3A_89 = arith.constant 0.000000e+00 : f32
    %broadcast_in_dim3A_90 = vector.broadcast %broadcast_in_dim3A_89 : f32 to vector<16xf32>
    %swap3A_91 = arith.constant 112 : index
    %swap3A_92 = tpu.vector_load %arg8[%swap3A_91] {strides = array<i32>} : memref<640xf32, #tpu.memory_space<vmem>>, vector<16xf32>,
    %swap3A_93 = vector.shape_cast %swap3A_92 : vector<16xf32> to vector<16xf32>
    %swap3A_94 = vector.shape_cast %broadcast_in_dim3A_90 : vector<16xf32> to vector<16xf32>
    tpu.vector_store %arg8[%swap3A_91], %swap3A_94 {strides = array<i32>} : memref<640xf32, #tpu.memory_space<vmem>>, vector<16xf32>,
    %broadcast_in_dim3A_95 = arith.constant 0.000000e+00 : f32
    %broadcast_in_dim3A_96 = vector.broadcast %broadcast_in_dim3A_95 : f32 to vector<16xf32>
    %swap3A_97 = arith.constant 128 : index
    %swap3A_98 = tpu.vector_load %arg8[%swap3A_97] {strides = array<i32>} : memref<640xf32, #tpu.memory_space<vmem>>, vector<16xf32>,
    %swap3A_99 = vector.shape_cast %swap3A_98 : vector<16xf32> to vector<16xf32>
    %swap3A_100 = vector.shape_cast %broadcast_in_dim3A_96 : vector<16xf32> to vector<16xf32>
    tpu.vector_store %arg8[%swap3A_97], %swap3A_100 {strides = array<i32>} : memref<640xf32, #tpu.memory_space<vmem>>, vector<16xf32>,
    %broadcast_in_dim3A_101 = arith.constant 0.000000e+00 : f32
    %broadcast_in_dim3A_102 = vector.broadcast %broadcast_in_dim3A_101 : f32 to vector<16xf32>
    %swap3A_103 = arith.constant 144 : index
    %swap3A_104 = tpu.vector_load %arg8[%swap3A_103] {strides = array<i32>} : memref<640xf32, #tpu.memory_space<vmem>>, vector<16xf32>,
    %swap3A_105 = vector.shape_cast %swap3A_104 : vector<16xf32> to vector<16xf32>
    %swap3A_106 = vector.shape_cast %broadcast_in_dim3A_102 : vector<16xf32> to vector<16xf32>
    tpu.vector_store %arg8[%swap3A_103], %swap3A_106 {strides = array<i32>} : memref<640xf32, #tpu.memory_space<vmem>>, vector<16xf32>,
    %broadcast_in_dim3A_107 = arith.constant 0.000000e+00 : f32
    %broadcast_in_dim3A_108 = vector.broadcast %broadcast_in_dim3A_107 : f32 to vector<16xf32>
    %swap3A_109 = arith.constant 160 : index
    %swap3A_110 = tpu.vector_load %arg8[%swap3A_109] {strides = array<i32>} : memref<640xf32, #tpu.memory_space<vmem>>, vector<16xf32>,
    %swap3A_111 = vector.shape_cast %swap3A_110 : vector<16xf32> to vector<16xf32>
    %swap3A_112 = vector.shape_cast %broadcast_in_dim3A_108 : vector<16xf32> to vector<16xf32>
    tpu.vector_store %arg8[%swap3A_109], %swap3A_112 {strides = array<i32>} : memref<640xf32, #tpu.memory_space<vmem>>, vector<16xf32>,
    %broadcast_in_dim3A_113 = arith.constant 0.000000e+00 : f32
    %broadcast_in_dim3A_114 = vector.broadcast %broadcast_in_dim3A_113 : f32 to vector<16xf32>
    %swap3A_115 = arith.constant 176 : index
    %swap3A_116 = tpu.vector_load %arg8[%swap3A_115] {strides = array<i32>} : memref<640xf32, #tpu.memory_space<vmem>>, vector<16xf32>,
    %swap3A_117 = vector.shape_cast %swap3A_116 : vector<16xf32> to vector<16xf32>
    %swap3A_118 = vector.shape_cast %broadcast_in_dim3A_114 : vector<16xf32> to vector<16xf32>
    tpu.vector_store %arg8[%swap3A_115], %swap3A_118 {strides = array<i32>} : memref<640xf32, #tpu.memory_space<vmem>>, vector<16xf32>,
    %broadcast_in_dim3A_119 = arith.constant 0.000000e+00 : f32
    %broadcast_in_dim3A_120 = vector.broadcast %broadcast_in_dim3A_119 : f32 to vector<16xf32>
    %swap3A_121 = arith.constant 192 : index
    %swap3A_122 = tpu.vector_load %arg8[%swap3A_121] {strides = array<i32>} : memref<640xf32, #tpu.memory_space<vmem>>, vector<16xf32>,
    %swap3A_123 = vector.shape_cast %swap3A_122 : vector<16xf32> to vector<16xf32>
    %swap3A_124 = vector.shape_cast %broadcast_in_dim3A_120 : vector<16xf32> to vector<16xf32>
    tpu.vector_store %arg8[%swap3A_121], %swap3A_124 {strides = array<i32>} : memref<640xf32, #tpu.memory_space<vmem>>, vector<16xf32>,
    %broadcast_in_dim3A_125 = arith.constant 0.000000e+00 : f32
    %broadcast_in_dim3A_126 = vector.broadcast %broadcast_in_dim3A_125 : f32 to vector<16xf32>
    %swap3A_127 = arith.constant 208 : index
    %swap3A_128 = tpu.vector_load %arg8[%swap3A_127] {strides = array<i32>} : memref<640xf32, #tpu.memory_space<vmem>>, vector<16xf32>,
    %swap3A_129 = vector.shape_cast %swap3A_128 : vector<16xf32> to vector<16xf32>
    %swap3A_130 = vector.shape_cast %broadcast_in_dim3A_126 : vector<16xf32> to vector<16xf32>
    tpu.vector_store %arg8[%swap3A_127], %swap3A_130 {strides = array<i32>} : memref<640xf32, #tpu.memory_space<vmem>>, vector<16xf32>,
    %broadcast_in_dim3A_131 = arith.constant 0.000000e+00 : f32
    %broadcast_in_dim3A_132 = vector.broadcast %broadcast_in_dim3A_131 : f32 to vector<16xf32>
    %swap3A_133 = arith.constant 224 : index
    %swap3A_134 = tpu.vector_load %arg8[%swap3A_133] {strides = array<i32>} : memref<640xf32, #tpu.memory_space<vmem>>, vector<16xf32>,
    %swap3A_135 = vector.shape_cast %swap3A_134 : vector<16xf32> to vector<16xf32>
    %swap3A_136 = vector.shape_cast %broadcast_in_dim3A_132 : vector<16xf32> to vector<16xf32>
    tpu.vector_store %arg8[%swap3A_133], %swap3A_136 {strides = array<i32>} : memref<640xf32, #tpu.memory_space<vmem>>, vector<16xf32>,
    %broadcast_in_dim3A_137 = arith.constant 0.000000e+00 : f32
    %broadcast_in_dim3A_138 = vector.broadcast %broadcast_in_dim3A_137 : f32 to vector<16xf32>
    %swap3A_139 = arith.constant 240 : index
    %swap3A_140 = tpu.vector_load %arg8[%swap3A_139] {strides = array<i32>} : memref<640xf32, #tpu.memory_space<vmem>>, vector<16xf32>,
    %swap3A_141 = vector.shape_cast %swap3A_140 : vector<16xf32> to vector<16xf32>
    %swap3A_142 = vector.shape_cast %broadcast_in_dim3A_138 : vector<16xf32> to vector<16xf32>
    tpu.vector_store %arg8[%swap3A_139], %swap3A_142 {strides = array<i32>} : memref<640xf32, #tpu.memory_space<vmem>>, vector<16xf32>,
    %broadcast_in_dim3A_143 = arith.constant 0.000000e+00 : f32
    %broadcast_in_dim3A_144 = vector.broadcast %broadcast_in_dim3A_143 : f32 to vector<16xf32>
    %swap3A_145 = arith.constant 256 : index
    %swap3A_146 = tpu.vector_load %arg8[%swap3A_145] {strides = array<i32>} : memref<640xf32, #tpu.memory_space<vmem>>, vector<16xf32>,
    %swap3A_147 = vector.shape_cast %swap3A_146 : vector<16xf32> to vector<16xf32>
    %swap3A_148 = vector.shape_cast %broadcast_in_dim3A_144 : vector<16xf32> to vector<16xf32>
    tpu.vector_store %arg8[%swap3A_145], %swap3A_148 {strides = array<i32>} : memref<640xf32, #tpu.memory_space<vmem>>, vector<16xf32>,
    %broadcast_in_dim3A_149 = arith.constant 0.000000e+00 : f32
    %broadcast_in_dim3A_150 = vector.broadcast %broadcast_in_dim3A_149 : f32 to vector<16xf32>
    %swap3A_151 = arith.constant 272 : index
    %swap3A_152 = tpu.vector_load %arg8[%swap3A_151] {strides = array<i32>} : memref<640xf32, #tpu.memory_space<vmem>>, vector<16xf32>,
    %swap3A_153 = vector.shape_cast %swap3A_152 : vector<16xf32> to vector<16xf32>
    %swap3A_154 = vector.shape_cast %broadcast_in_dim3A_150 : vector<16xf32> to vector<16xf32>
    tpu.vector_store %arg8[%swap3A_151], %swap3A_154 {strides = array<i32>} : memref<640xf32, #tpu.memory_space<vmem>>, vector<16xf32>,
    %broadcast_in_dim3A_155 = arith.constant 0.000000e+00 : f32
    %broadcast_in_dim3A_156 = vector.broadcast %broadcast_in_dim3A_155 : f32 to vector<16xf32>
    %swap3A_157 = arith.constant 288 : index
    %swap3A_158 = tpu.vector_load %arg8[%swap3A_157] {strides = array<i32>} : memref<640xf32, #tpu.memory_space<vmem>>, vector<16xf32>,
    %swap3A_159 = vector.shape_cast %swap3A_158 : vector<16xf32> to vector<16xf32>
    %swap3A_160 = vector.shape_cast %broadcast_in_dim3A_156 : vector<16xf32> to vector<16xf32>
    tpu.vector_store %arg8[%swap3A_157], %swap3A_160 {strides = array<i32>} : memref<640xf32, #tpu.memory_space<vmem>>, vector<16xf32>,
    %broadcast_in_dim3A_161 = arith.constant 0.000000e+00 : f32
    %broadcast_in_dim3A_162 = vector.broadcast %broadcast_in_dim3A_161 : f32 to vector<16xf32>
    %swap3A_163 = arith.constant 304 : index
    %swap3A_164 = tpu.vector_load %arg8[%swap3A_163] {strides = array<i32>} : memref<640xf32, #tpu.memory_space<vmem>>, vector<16xf32>,
    %swap3A_165 = vector.shape_cast %swap3A_164 : vector<16xf32> to vector<16xf32>
    %swap3A_166 = vector.shape_cast %broadcast_in_dim3A_162 : vector<16xf32> to vector<16xf32>
    tpu.vector_store %arg8[%swap3A_163], %swap3A_166 {strides = array<i32>} : memref<640xf32, #tpu.memory_space<vmem>>, vector<16xf32>,
    %broadcast_in_dim3A_167 = arith.constant 0.000000e+00 : f32
    %broadcast_in_dim3A_168 = vector.broadcast %broadcast_in_dim3A_167 : f32 to vector<16xf32>
    %swap3A_169 = arith.constant 320 : index
    %swap3A_170 = tpu.vector_load %arg8[%swap3A_169] {strides = array<i32>} : memref<640xf32, #tpu.memory_space<vmem>>, vector<16xf32>,
    %swap3A_171 = vector.shape_cast %swap3A_170 : vector<16xf32> to vector<16xf32>
    %swap3A_172 = vector.shape_cast %broadcast_in_dim3A_168 : vector<16xf32> to vector<16xf32>
    tpu.vector_store %arg8[%swap3A_169], %swap3A_172 {strides = array<i32>} : memref<640xf32, #tpu.memory_space<vmem>>, vector<16xf32>,
    %broadcast_in_dim3A_173 = arith.constant 0.000000e+00 : f32
    %broadcast_in_dim3A_174 = vector.broadcast %broadcast_in_dim3A_173 : f32 to vector<16xf32>
    %swap3A_175 = arith.constant 336 : index
    %swap3A_176 = tpu.vector_load %arg8[%swap3A_175] {strides = array<i32>} : memref<640xf32, #tpu.memory_space<vmem>>, vector<16xf32>,
    %swap3A_177 = vector.shape_cast %swap3A_176 : vector<16xf32> to vector<16xf32>
    %swap3A_178 = vector.shape_cast %broadcast_in_dim3A_174 : vector<16xf32> to vector<16xf32>
    tpu.vector_store %arg8[%swap3A_175], %swap3A_178 {strides = array<i32>} : memref<640xf32, #tpu.memory_space<vmem>>, vector<16xf32>,
    %broadcast_in_dim3A_179 = arith.constant 0.000000e+00 : f32
    %broadcast_in_dim3A_180 = vector.broadcast %broadcast_in_dim3A_179 : f32 to vector<16xf32>
    %swap3A_181 = arith.constant 352 : index
    %swap3A_182 = tpu.vector_load %arg8[%swap3A_181] {strides = array<i32>} : memref<640xf32, #tpu.memory_space<vmem>>, vector<16xf32>,
    %swap3A_183 = vector.shape_cast %swap3A_182 : vector<16xf32> to vector<16xf32>
    %swap3A_184 = vector.shape_cast %broadcast_in_dim3A_180 : vector<16xf32> to vector<16xf32>
    tpu.vector_store %arg8[%swap3A_181], %swap3A_184 {strides = array<i32>} : memref<640xf32, #tpu.memory_space<vmem>>, vector<16xf32>,
    %broadcast_in_dim3A_185 = arith.constant 0.000000e+00 : f32
    %broadcast_in_dim3A_186 = vector.broadcast %broadcast_in_dim3A_185 : f32 to vector<16xf32>
    %swap3A_187 = arith.constant 368 : index
    %swap3A_188 = tpu.vector_load %arg8[%swap3A_187] {strides = array<i32>} : memref<640xf32, #tpu.memory_space<vmem>>, vector<16xf32>,
    %swap3A_189 = vector.shape_cast %swap3A_188 : vector<16xf32> to vector<16xf32>
    %swap3A_190 = vector.shape_cast %broadcast_in_dim3A_186 : vector<16xf32> to vector<16xf32>
    tpu.vector_store %arg8[%swap3A_187], %swap3A_190 {strides = array<i32>} : memref<640xf32, #tpu.memory_space<vmem>>, vector<16xf32>,
    %broadcast_in_dim3A_191 = arith.constant 0.000000e+00 : f32
    %broadcast_in_dim3A_192 = vector.broadcast %broadcast_in_dim3A_191 : f32 to vector<16xf32>
    %swap3A_193 = arith.constant 384 : index
    %swap3A_194 = tpu.vector_load %arg8[%swap3A_193] {strides = array<i32>} : memref<640xf32, #tpu.memory_space<vmem>>, vector<16xf32>,
    %swap3A_195 = vector.shape_cast %swap3A_194 : vector<16xf32> to vector<16xf32>
    %swap3A_196 = vector.shape_cast %broadcast_in_dim3A_192 : vector<16xf32> to vector<16xf32>
    tpu.vector_store %arg8[%swap3A_193], %swap3A_196 {strides = array<i32>} : memref<640xf32, #tpu.memory_space<vmem>>, vector<16xf32>,
    %broadcast_in_dim3A_197 = arith.constant 0.000000e+00 : f32
    %broadcast_in_dim3A_198 = vector.broadcast %broadcast_in_dim3A_197 : f32 to vector<16xf32>
    %swap3A_199 = arith.constant 400 : index
    %swap3A_200 = tpu.vector_load %arg8[%swap3A_199] {strides = array<i32>} : memref<640xf32, #tpu.memory_space<vmem>>, vector<16xf32>,
    %swap3A_201 = vector.shape_cast %swap3A_200 : vector<16xf32> to vector<16xf32>
    %swap3A_202 = vector.shape_cast %broadcast_in_dim3A_198 : vector<16xf32> to vector<16xf32>
    tpu.vector_store %arg8[%swap3A_199], %swap3A_202 {strides = array<i32>} : memref<640xf32, #tpu.memory_space<vmem>>, vector<16xf32>,
    %broadcast_in_dim3A_203 = arith.constant 0.000000e+00 : f32
    %broadcast_in_dim3A_204 = vector.broadcast %broadcast_in_dim3A_203 : f32 to vector<16xf32>
    %swap3A_205 = arith.constant 416 : index
    %swap3A_206 = tpu.vector_load %arg8[%swap3A_205] {strides = array<i32>} : memref<640xf32, #tpu.memory_space<vmem>>, vector<16xf32>,
    %swap3A_207 = vector.shape_cast %swap3A_206 : vector<16xf32> to vector<16xf32>
    %swap3A_208 = vector.shape_cast %broadcast_in_dim3A_204 : vector<16xf32> to vector<16xf32>
    tpu.vector_store %arg8[%swap3A_205], %swap3A_208 {strides = array<i32>} : memref<640xf32, #tpu.memory_space<vmem>>, vector<16xf32>,
    %broadcast_in_dim3A_209 = arith.constant 0.000000e+00 : f32
    %broadcast_in_dim3A_210 = vector.broadcast %broadcast_in_dim3A_209 : f32 to vector<16xf32>
    %swap3A_211 = arith.constant 432 : index
    %swap3A_212 = tpu.vector_load %arg8[%swap3A_211] {strides = array<i32>} : memref<640xf32, #tpu.memory_space<vmem>>, vector<16xf32>,
    %swap3A_213 = vector.shape_cast %swap3A_212 : vector<16xf32> to vector<16xf32>
    %swap3A_214 = vector.shape_cast %broadcast_in_dim3A_210 : vector<16xf32> to vector<16xf32>
    tpu.vector_store %arg8[%swap3A_211], %swap3A_214 {strides = array<i32>} : memref<640xf32, #tpu.memory_space<vmem>>, vector<16xf32>,
    %broadcast_in_dim3A_215 = arith.constant 0.000000e+00 : f32
    %broadcast_in_dim3A_216 = vector.broadcast %broadcast_in_dim3A_215 : f32 to vector<16xf32>
    %swap3A_217 = arith.constant 448 : index
    %swap3A_218 = tpu.vector_load %arg8[%swap3A_217] {strides = array<i32>} : memref<640xf32, #tpu.memory_space<vmem>>, vector<16xf32>,
    %swap3A_219 = vector.shape_cast %swap3A_218 : vector<16xf32> to vector<16xf32>
    %swap3A_220 = vector.shape_cast %broadcast_in_dim3A_216 : vector<16xf32> to vector<16xf32>
    tpu.vector_store %arg8[%swap3A_217], %swap3A_220 {strides = array<i32>} : memref<640xf32, #tpu.memory_space<vmem>>, vector<16xf32>,
    %broadcast_in_dim3A_221 = arith.constant 0.000000e+00 : f32
    %broadcast_in_dim3A_222 = vector.broadcast %broadcast_in_dim3A_221 : f32 to vector<16xf32>
    %swap3A_223 = arith.constant 464 : index
    %swap3A_224 = tpu.vector_load %arg8[%swap3A_223] {strides = array<i32>} : memref<640xf32, #tpu.memory_space<vmem>>, vector<16xf32>,
    %swap3A_225 = vector.shape_cast %swap3A_224 : vector<16xf32> to vector<16xf32>
    %swap3A_226 = vector.shape_cast %broadcast_in_dim3A_222 : vector<16xf32> to vector<16xf32>
    tpu.vector_store %arg8[%swap3A_223], %swap3A_226 {strides = array<i32>} : memref<640xf32, #tpu.memory_space<vmem>>, vector<16xf32>,
    %broadcast_in_dim3A_227 = arith.constant 0.000000e+00 : f32
    %broadcast_in_dim3A_228 = vector.broadcast %broadcast_in_dim3A_227 : f32 to vector<16xf32>
    %swap3A_229 = arith.constant 480 : index
    %swap3A_230 = tpu.vector_load %arg8[%swap3A_229] {strides = array<i32>} : memref<640xf32, #tpu.memory_space<vmem>>, vector<16xf32>,
    %swap3A_231 = vector.shape_cast %swap3A_230 : vector<16xf32> to vector<16xf32>
    %swap3A_232 = vector.shape_cast %broadcast_in_dim3A_228 : vector<16xf32> to vector<16xf32>
    tpu.vector_store %arg8[%swap3A_229], %swap3A_232 {strides = array<i32>} : memref<640xf32, #tpu.memory_space<vmem>>, vector<16xf32>,
    %broadcast_in_dim3A_233 = arith.constant 0.000000e+00 : f32
    %broadcast_in_dim3A_234 = vector.broadcast %broadcast_in_dim3A_233 : f32 to vector<16xf32>
    %swap3A_235 = arith.constant 496 : index
    %swap3A_236 = tpu.vector_load %arg8[%swap3A_235] {strides = array<i32>} : memref<640xf32, #tpu.memory_space<vmem>>, vector<16xf32>,
    %swap3A_237 = vector.shape_cast %swap3A_236 : vector<16xf32> to vector<16xf32>
    %swap3A_238 = vector.shape_cast %broadcast_in_dim3A_234 : vector<16xf32> to vector<16xf32>
    tpu.vector_store %arg8[%swap3A_235], %swap3A_238 {strides = array<i32>} : memref<640xf32, #tpu.memory_space<vmem>>, vector<16xf32>,
    %broadcast_in_dim3A_239 = arith.constant 0.000000e+00 : f32
    %broadcast_in_dim3A_240 = vector.broadcast %broadcast_in_dim3A_239 : f32 to vector<16xf32>
    %swap3A_241 = arith.constant 512 : index
    %swap3A_242 = tpu.vector_load %arg8[%swap3A_241] {strides = array<i32>} : memref<640xf32, #tpu.memory_space<vmem>>, vector<16xf32>,
    %swap3A_243 = vector.shape_cast %swap3A_242 : vector<16xf32> to vector<16xf32>
    %swap3A_244 = vector.shape_cast %broadcast_in_dim3A_240 : vector<16xf32> to vector<16xf32>
    tpu.vector_store %arg8[%swap3A_241], %swap3A_244 {strides = array<i32>} : memref<640xf32, #tpu.memory_space<vmem>>, vector<16xf32>,
    %broadcast_in_dim3A_245 = arith.constant 0.000000e+00 : f32
    %broadcast_in_dim3A_246 = vector.broadcast %broadcast_in_dim3A_245 : f32 to vector<16xf32>
    %swap3A_247 = arith.constant 528 : index
    %swap3A_248 = tpu.vector_load %arg8[%swap3A_247] {strides = array<i32>} : memref<640xf32, #tpu.memory_space<vmem>>, vector<16xf32>,
    %swap3A_249 = vector.shape_cast %swap3A_248 : vector<16xf32> to vector<16xf32>
    %swap3A_250 = vector.shape_cast %broadcast_in_dim3A_246 : vector<16xf32> to vector<16xf32>
    tpu.vector_store %arg8[%swap3A_247], %swap3A_250 {strides = array<i32>} : memref<640xf32, #tpu.memory_space<vmem>>, vector<16xf32>,
    %broadcast_in_dim3A_251 = arith.constant 0.000000e+00 : f32
    %broadcast_in_dim3A_252 = vector.broadcast %broadcast_in_dim3A_251 : f32 to vector<16xf32>
    %swap3A_253 = arith.constant 544 : index
    %swap3A_254 = tpu.vector_load %arg8[%swap3A_253] {strides = array<i32>} : memref<640xf32, #tpu.memory_space<vmem>>, vector<16xf32>,
    %swap3A_255 = vector.shape_cast %swap3A_254 : vector<16xf32> to vector<16xf32>
    %swap3A_256 = vector.shape_cast %broadcast_in_dim3A_252 : vector<16xf32> to vector<16xf32>
    tpu.vector_store %arg8[%swap3A_253], %swap3A_256 {strides = array<i32>} : memref<640xf32, #tpu.memory_space<vmem>>, vector<16xf32>,
    %broadcast_in_dim3A_257 = arith.constant 0.000000e+00 : f32
    %broadcast_in_dim3A_258 = vector.broadcast %broadcast_in_dim3A_257 : f32 to vector<16xf32>
    %swap3A_259 = arith.constant 560 : index
    %swap3A_260 = tpu.vector_load %arg8[%swap3A_259] {strides = array<i32>} : memref<640xf32, #tpu.memory_space<vmem>>, vector<16xf32>,
    %swap3A_261 = vector.shape_cast %swap3A_260 : vector<16xf32> to vector<16xf32>
    %swap3A_262 = vector.shape_cast %broadcast_in_dim3A_258 : vector<16xf32> to vector<16xf32>
    tpu.vector_store %arg8[%swap3A_259], %swap3A_262 {strides = array<i32>} : memref<640xf32, #tpu.memory_space<vmem>>, vector<16xf32>,
    %broadcast_in_dim3A_263 = arith.constant 0.000000e+00 : f32
    %broadcast_in_dim3A_264 = vector.broadcast %broadcast_in_dim3A_263 : f32 to vector<16xf32>
    %swap3A_265 = arith.constant 576 : index
    %swap3A_266 = tpu.vector_load %arg8[%swap3A_265] {strides = array<i32>} : memref<640xf32, #tpu.memory_space<vmem>>, vector<16xf32>,
    %swap3A_267 = vector.shape_cast %swap3A_266 : vector<16xf32> to vector<16xf32>
    %swap3A_268 = vector.shape_cast %broadcast_in_dim3A_264 : vector<16xf32> to vector<16xf32>
    tpu.vector_store %arg8[%swap3A_265], %swap3A_268 {strides = array<i32>} : memref<640xf32, #tpu.memory_space<vmem>>, vector<16xf32>,
    %broadcast_in_dim3A_269 = arith.constant 0.000000e+00 : f32
    %broadcast_in_dim3A_270 = vector.broadcast %broadcast_in_dim3A_269 : f32 to vector<16xf32>
    %swap3A_271 = arith.constant 592 : index
    %swap3A_272 = tpu.vector_load %arg8[%swap3A_271] {strides = array<i32>} : memref<640xf32, #tpu.memory_space<vmem>>, vector<16xf32>,
    %swap3A_273 = vector.shape_cast %swap3A_272 : vector<16xf32> to vector<16xf32>
    %swap3A_274 = vector.shape_cast %broadcast_in_dim3A_270 : vector<16xf32> to vector<16xf32>
    tpu.vector_store %arg8[%swap3A_271], %swap3A_274 {strides = array<i32>} : memref<640xf32, #tpu.memory_space<vmem>>, vector<16xf32>,
    %broadcast_in_dim3A_275 = arith.constant 0.000000e+00 : f32
    %broadcast_in_dim3A_276 = vector.broadcast %broadcast_in_dim3A_275 : f32 to vector<16xf32>
    %swap3A_277 = arith.constant 608 : index
    %swap3A_278 = tpu.vector_load %arg8[%swap3A_277] {strides = array<i32>} : memref<640xf32, #tpu.memory_space<vmem>>, vector<16xf32>,
    %swap3A_279 = vector.shape_cast %swap3A_278 : vector<16xf32> to vector<16xf32>
    %swap3A_280 = vector.shape_cast %broadcast_in_dim3A_276 : vector<16xf32> to vector<16xf32>
    tpu.vector_store %arg8[%swap3A_277], %swap3A_280 {strides = array<i32>} : memref<640xf32, #tpu.memory_space<vmem>>, vector<16xf32>,
    %broadcast_in_dim3A_281 = arith.constant 0.000000e+00 : f32
    %broadcast_in_dim3A_282 = vector.broadcast %broadcast_in_dim3A_281 : f32 to vector<16xf32>
    %swap3A_283 = arith.constant 624 : index
    %swap3A_284 = tpu.vector_load %arg8[%swap3A_283] {strides = array<i32>} : memref<640xf32, #tpu.memory_space<vmem>>, vector<16xf32>,
    %swap3A_285 = vector.shape_cast %swap3A_284 : vector<16xf32> to vector<16xf32>
    %swap3A_286 = vector.shape_cast %broadcast_in_dim3A_282 : vector<16xf32> to vector<16xf32>
    tpu.vector_store %arg8[%swap3A_283], %swap3A_286 {strides = array<i32>} : memref<640xf32, #tpu.memory_space<vmem>>, vector<16xf32>,
    %mul3A_287 = arith.constant 640 : i32
    %mul3A_288 = arith.muli %arg1, %mul3A_287 : i32
    "tpu.region"() ({
      %run_scoped3A = tpu.sem_alloc : memref<!tpu.dma_semaphore, #tpu.memory_space<semaphore_mem>>
      %dma_start3A = tpu.memref_slice %arg9[%mul3A_288] : memref<10240xf32, #tpu.memory_space<vmem_shared>> -> memref<640xf32, #tpu.memory_space<vmem_shared>>
      %dma_start3A_301 = tpu.memref_slice %arg9[%mul3A_288] : memref<10240xf32, #tpu.memory_space<vmem_shared>> -> memref<640xf32, #tpu.memory_space<vmem_shared>>
      tpu.enqueue_dma source(%arg8 : memref<640xf32, #tpu.memory_space<vmem>>) target(%dma_start3A_301 : memref<640xf32, #tpu.memory_space<vmem_shared>>) target_semaphore(%run_scoped3A : memref<!tpu.dma_semaphore, #tpu.memory_space<semaphore_mem>>)
      %dma_wait3A = tpu.memref_slice %arg9[%mul3A_288] : memref<10240xf32, #tpu.memory_space<vmem_shared>> -> memref<640xf32, #tpu.memory_space<vmem_shared>>
      %dma_wait3A_302 = tpu.memref_slice %arg9[%mul3A_288] : memref<10240xf32, #tpu.memory_space<vmem_shared>> -> memref<640xf32, #tpu.memory_space<vmem_shared>>
      tpu.wait_dma2 semaphore(%run_scoped3A : memref<!tpu.dma_semaphore, #tpu.memory_space<semaphore_mem>>) src(%arg8 : memref<640xf32, #tpu.memory_space<vmem>>) dst(%dma_wait3A_302 : memref<640xf32, #tpu.memory_space<vmem_shared>>)
      tpu.yield
    }) : () -> ()
    %mul3A_289 = arith.constant 640 : i32
    %mul3A_290 = arith.muli %arg1, %mul3A_289 : i32
    "tpu.region"() ({
      %run_scoped3A = tpu.sem_alloc : memref<!tpu.dma_semaphore, #tpu.memory_space<semaphore_mem>>
      %dma_start3A = tpu.memref_slice %arg10[%mul3A_290] : memref<10240xf32, #tpu.memory_space<vmem_shared>> -> memref<640xf32, #tpu.memory_space<vmem_shared>>
      %dma_start3A_301 = tpu.memref_slice %arg10[%mul3A_290] : memref<10240xf32, #tpu.memory_space<vmem_shared>> -> memref<640xf32, #tpu.memory_space<vmem_shared>>
      tpu.enqueue_dma source(%arg8 : memref<640xf32, #tpu.memory_space<vmem>>) target(%dma_start3A_301 : memref<640xf32, #tpu.memory_space<vmem_shared>>) target_semaphore(%run_scoped3A : memref<!tpu.dma_semaphore, #tpu.memory_space<semaphore_mem>>)
      %dma_wait3A = tpu.memref_slice %arg10[%mul3A_290] : memref<10240xf32, #tpu.memory_space<vmem_shared>> -> memref<640xf32, #tpu.memory_space<vmem_shared>>
      %dma_wait3A_302 = tpu.memref_slice %arg10[%mul3A_290] : memref<10240xf32, #tpu.memory_space<vmem_shared>> -> memref<640xf32, #tpu.memory_space<vmem_shared>>
      tpu.wait_dma2 semaphore(%run_scoped3A : memref<!tpu.dma_semaphore, #tpu.memory_space<semaphore_mem>>) src(%arg8 : memref<640xf32, #tpu.memory_space<vmem>>) dst(%dma_wait3A_302 : memref<640xf32, #tpu.memory_space<vmem_shared>>)
      tpu.yield
    }) : () -> ()
    %barrier3A = arith.constant 0 : index
    tpu.barrier barrier_id(%barrier3A)
    %mul3A_291 = arith.constant 10112 : i32
    %mul3A_292 = arith.muli %add3A, %mul3A_291 : i32
    %scan3A = arith.constant 0 : i32
    %scan3A_293 = arith.constant 0 : i32
    %scan3A_294 = arith.constant 79 : i32
    %scan3A_295 = arith.addi %scan3A_293, %scan3A_294 : i32
    %scan3A_296 = arith.constant 1 : i32
    scf.for %scan3A_301 = %scan3A_293 to %scan3A_295 step %scan3A_296  : i32 {
      %mul3A_302 = arith.constant 128 : i32
      %mul3A_303 = arith.muli %scan3A_301, %mul3A_302 : i32
      %add3A_304 = arith.addi %mul3A_292, %mul3A_303 : i32
      "tpu.region"() ({
        %run_scoped3A = tpu.sem_alloc : memref<!tpu.dma_semaphore, #tpu.memory_space<semaphore_mem>>
        %dma_start3A = tpu.memref_slice %arg2[%add3A_304] : memref<323584xi32, #tpu.memory_space<hbm>> -> memref<128xi32, #tpu.memory_space<hbm>>
        %dma_start3A_305 = tpu.memref_slice %arg2[%add3A_304] : memref<323584xi32, #tpu.memory_space<hbm>> -> memref<128xi32, #tpu.memory_space<hbm>>
        tpu.enqueue_dma source(%dma_start3A_305 : memref<128xi32, #tpu.memory_space<hbm>>) target(%arg6 : memref<128xi32, #tpu.memory_space<vmem>>) target_semaphore(%run_scoped3A : memref<!tpu.dma_semaphore, #tpu.memory_space<semaphore_mem>>)
        %dma_wait3A = tpu.memref_slice %arg2[%add3A_304] : memref<323584xi32, #tpu.memory_space<hbm>> -> memref<128xi32, #tpu.memory_space<hbm>>
        %dma_wait3A_306 = tpu.memref_slice %arg2[%add3A_304] : memref<323584xi32, #tpu.memory_space<hbm>> -> memref<128xi32, #tpu.memory_space<hbm>>
        tpu.wait_dma2 semaphore(%run_scoped3A : memref<!tpu.dma_semaphore, #tpu.memory_space<semaphore_mem>>) src(%dma_wait3A_306 : memref<128xi32, #tpu.memory_space<hbm>>) dst(%arg6 : memref<128xi32, #tpu.memory_space<vmem>>)
        tpu.yield
      }) : () -> ()
      "tpu.region"() ({
        %run_scoped3A = tpu.sem_alloc : memref<!tpu.dma_semaphore, #tpu.memory_space<semaphore_mem>>
        %dma_start3A = arith.constant 0 : i32
        %dma_start3A_305 = tpu.memref_slice %arg9[%dma_start3A] : memref<10240xf32, #tpu.memory_space<vmem_shared>> -> memref<10240xf32, #tpu.memory_space<vmem_shared>>
        tpu.enqueue_indirect_dma source(%arg7 : memref<128xf32, #tpu.memory_space<vmem>>) target(%dma_start3A_305 : memref<10240xf32, #tpu.memory_space<vmem_shared>>) offsets(%arg6 : memref<128xi32, #tpu.memory_space<vmem>>) semaphore(%run_scoped3A : memref<!tpu.dma_semaphore, #tpu.memory_space<semaphore_mem>>) {add = true}
        %dma_wait3A = arith.constant 0 : i32
        %dma_wait3A_306 = tpu.memref_slice %arg9[%dma_wait3A] : memref<10240xf32, #tpu.memory_space<vmem_shared>> -> memref<10240xf32, #tpu.memory_space<vmem_shared>>
        tpu.wait_indirect_dma semaphore(%run_scoped3A : memref<!tpu.dma_semaphore, #tpu.memory_space<semaphore_mem>>) src(%arg7 : memref<128xf32, #tpu.memory_space<vmem>>) dst(%dma_wait3A_306 : memref<10240xf32, #tpu.memory_space<vmem_shared>>)
        tpu.yield
      }) : () -> ()
      "tpu.region"() ({
        %run_scoped3A = tpu.sem_alloc : memref<!tpu.dma_semaphore, #tpu.memory_space<semaphore_mem>>
        %dma_start3A = tpu.memref_slice %arg3[%add3A_304] : memref<323584xi32, #tpu.memory_space<hbm>> -> memref<128xi32, #tpu.memory_space<hbm>>
        %dma_start3A_305 = tpu.memref_slice %arg3[%add3A_304] : memref<323584xi32, #tpu.memory_space<hbm>> -> memref<128xi32, #tpu.memory_space<hbm>>
        tpu.enqueue_dma source(%dma_start3A_305 : memref<128xi32, #tpu.memory_space<hbm>>) target(%arg6 : memref<128xi32, #tpu.memory_space<vmem>>) target_semaphore(%run_scoped3A : memref<!tpu.dma_semaphore, #tpu.memory_space<semaphore_mem>>)
        %dma_wait3A = tpu.memref_slice %arg3[%add3A_304] : memref<323584xi32, #tpu.memory_space<hbm>> -> memref<128xi32, #tpu.memory_space<hbm>>
        %dma_wait3A_306 = tpu.memref_slice %arg3[%add3A_304] : memref<323584xi32, #tpu.memory_space<hbm>> -> memref<128xi32, #tpu.memory_space<hbm>>
        tpu.wait_dma2 semaphore(%run_scoped3A : memref<!tpu.dma_semaphore, #tpu.memory_space<semaphore_mem>>) src(%dma_wait3A_306 : memref<128xi32, #tpu.memory_space<hbm>>) dst(%arg6 : memref<128xi32, #tpu.memory_space<vmem>>)
        tpu.yield
      }) : () -> ()
      "tpu.region"() ({
        %run_scoped3A = tpu.sem_alloc : memref<!tpu.dma_semaphore, #tpu.memory_space<semaphore_mem>>
        %dma_start3A = arith.constant 0 : i32
        %dma_start3A_305 = tpu.memref_slice %arg10[%dma_start3A] : memref<10240xf32, #tpu.memory_space<vmem_shared>> -> memref<10240xf32, #tpu.memory_space<vmem_shared>>
        tpu.enqueue_indirect_dma source(%arg7 : memref<128xf32, #tpu.memory_space<vmem>>) target(%dma_start3A_305 : memref<10240xf32, #tpu.memory_space<vmem_shared>>) offsets(%arg6 : memref<128xi32, #tpu.memory_space<vmem>>) semaphore(%run_scoped3A : memref<!tpu.dma_semaphore, #tpu.memory_space<semaphore_mem>>) {add = true}
        %dma_wait3A = arith.constant 0 : i32
        %dma_wait3A_306 = tpu.memref_slice %arg10[%dma_wait3A] : memref<10240xf32, #tpu.memory_space<vmem_shared>> -> memref<10240xf32, #tpu.memory_space<vmem_shared>>
        tpu.wait_indirect_dma semaphore(%run_scoped3A : memref<!tpu.dma_semaphore, #tpu.memory_space<semaphore_mem>>) src(%arg7 : memref<128xf32, #tpu.memory_space<vmem>>) dst(%dma_wait3A_306 : memref<10240xf32, #tpu.memory_space<vmem_shared>>)
        tpu.yield
      }) : () -> ()
    }
    %scan3A_297 = arith.constant 79 : i32
    %barrier3A_298 = arith.constant 0 : index
    tpu.barrier barrier_id(%barrier3A_298)
    %mul3A_299 = arith.constant 640 : i32
    %mul3A_300 = arith.muli %arg1, %mul3A_299 : i32
    "tpu.region"() ({
      %run_scoped3A = tpu.sem_alloc : memref<!tpu.dma_semaphore, #tpu.memory_space<semaphore_mem>>
      %dma_start3A = tpu.memref_slice %arg9[%mul3A_300] : memref<10240xf32, #tpu.memory_space<vmem_shared>> -> memref<640xf32, #tpu.memory_space<vmem_shared>>
      %dma_start3A_301 = tpu.memref_slice %arg9[%mul3A_300] : memref<10240xf32, #tpu.memory_space<vmem_shared>> -> memref<640xf32, #tpu.memory_space<vmem_shared>>
      tpu.enqueue_dma source(%dma_start3A_301 : memref<640xf32, #tpu.memory_space<vmem_shared>>) target(%arg8 : memref<640xf32, #tpu.memory_space<vmem>>) target_semaphore(%run_scoped3A : memref<!tpu.dma_semaphore, #tpu.memory_space<semaphore_mem>>)
      %dma_wait3A = tpu.memref_slice %arg9[%mul3A_300] : memref<10240xf32, #tpu.memory_space<vmem_shared>> -> memref<640xf32, #tpu.memory_space<vmem_shared>>
      %dma_wait3A_302 = tpu.memref_slice %arg9[%mul3A_300] : memref<10240xf32, #tpu.memory_space<vmem_shared>> -> memref<640xf32, #tpu.memory_space<vmem_shared>>
      tpu.wait_dma2 semaphore(%run_scoped3A : memref<!tpu.dma_semaphore, #tpu.memory_space<semaphore_mem>>) src(%dma_wait3A_302 : memref<640xf32, #tpu.memory_space<vmem_shared>>) dst(%arg8 : memref<640xf32, #tpu.memory_space<vmem>>)
      tpu.yield
    }) : () -> ()
    "tpu.region"() ({
      %run_scoped3A = tpu.sem_alloc : memref<!tpu.dma_semaphore, #tpu.memory_space<semaphore_mem>>
      %dma_start3A = tpu.memref_slice %arg4[%arg0, %mul3A_300] : memref<2x10240xf32, #tpu.memory_space<hbm>> -> memref<1x640xf32, #tpu.memory_space<hbm>>
      %dma_start3A_301 = tpu.memref_squeeze %dma_start3A : memref<1x640xf32, #tpu.memory_space<hbm>> -> memref<640xf32, #tpu.memory_space<hbm>>
      %dma_start3A_302 = tpu.memref_slice %arg4[%arg0, %mul3A_300] : memref<2x10240xf32, #tpu.memory_space<hbm>> -> memref<1x640xf32, #tpu.memory_space<hbm>>
      %dma_start3A_303 = tpu.memref_squeeze %dma_start3A_302 : memref<1x640xf32, #tpu.memory_space<hbm>> -> memref<640xf32, #tpu.memory_space<hbm>>
      tpu.enqueue_dma source(%arg8 : memref<640xf32, #tpu.memory_space<vmem>>) target(%dma_start3A_303 : memref<640xf32, #tpu.memory_space<hbm>>) target_semaphore(%run_scoped3A : memref<!tpu.dma_semaphore, #tpu.memory_space<semaphore_mem>>)
      %dma_wait3A = tpu.memref_slice %arg4[%arg0, %mul3A_300] : memref<2x10240xf32, #tpu.memory_space<hbm>> -> memref<1x640xf32, #tpu.memory_space<hbm>>
      %dma_wait3A_304 = tpu.memref_squeeze %dma_wait3A : memref<1x640xf32, #tpu.memory_space<hbm>> -> memref<640xf32, #tpu.memory_space<hbm>>
      %dma_wait3A_305 = tpu.memref_slice %arg4[%arg0, %mul3A_300] : memref<2x10240xf32, #tpu.memory_space<hbm>> -> memref<1x640xf32, #tpu.memory_space<hbm>>
      %dma_wait3A_306 = tpu.memref_squeeze %dma_wait3A_305 : memref<1x640xf32, #tpu.memory_space<hbm>> -> memref<640xf32, #tpu.memory_space<hbm>>
      tpu.wait_dma2 semaphore(%run_scoped3A : memref<!tpu.dma_semaphore, #tpu.memory_space<semaphore_mem>>) src(%arg8 : memref<640xf32, #tpu.memory_space<vmem>>) dst(%dma_wait3A_306 : memref<640xf32, #tpu.memory_space<hbm>>)
      tpu.yield
    }) : () -> ()
    "tpu.region"() ({
      %run_scoped3A = tpu.sem_alloc : memref<!tpu.dma_semaphore, #tpu.memory_space<semaphore_mem>>
      %dma_start3A = tpu.memref_slice %arg10[%mul3A_300] : memref<10240xf32, #tpu.memory_space<vmem_shared>> -> memref<640xf32, #tpu.memory_space<vmem_shared>>
      %dma_start3A_301 = tpu.memref_slice %arg10[%mul3A_300] : memref<10240xf32, #tpu.memory_space<vmem_shared>> -> memref<640xf32, #tpu.memory_space<vmem_shared>>
      tpu.enqueue_dma source(%dma_start3A_301 : memref<640xf32, #tpu.memory_space<vmem_shared>>) target(%arg8 : memref<640xf32, #tpu.memory_space<vmem>>) target_semaphore(%run_scoped3A : memref<!tpu.dma_semaphore, #tpu.memory_space<semaphore_mem>>)
      %dma_wait3A = tpu.memref_slice %arg10[%mul3A_300] : memref<10240xf32, #tpu.memory_space<vmem_shared>> -> memref<640xf32, #tpu.memory_space<vmem_shared>>
      %dma_wait3A_302 = tpu.memref_slice %arg10[%mul3A_300] : memref<10240xf32, #tpu.memory_space<vmem_shared>> -> memref<640xf32, #tpu.memory_space<vmem_shared>>
      tpu.wait_dma2 semaphore(%run_scoped3A : memref<!tpu.dma_semaphore, #tpu.memory_space<semaphore_mem>>) src(%dma_wait3A_302 : memref<640xf32, #tpu.memory_space<vmem_shared>>) dst(%arg8 : memref<640xf32, #tpu.memory_space<vmem>>)
      tpu.yield
    }) : () -> ()
    "tpu.region"() ({
      %run_scoped3A = tpu.sem_alloc : memref<!tpu.dma_semaphore, #tpu.memory_space<semaphore_mem>>
      %dma_start3A = tpu.memref_slice %arg5[%arg0, %mul3A_300] : memref<2x10240xf32, #tpu.memory_space<hbm>> -> memref<1x640xf32, #tpu.memory_space<hbm>>
      %dma_start3A_301 = tpu.memref_squeeze %dma_start3A : memref<1x640xf32, #tpu.memory_space<hbm>> -> memref<640xf32, #tpu.memory_space<hbm>>
      %dma_start3A_302 = tpu.memref_slice %arg5[%arg0, %mul3A_300] : memref<2x10240xf32, #tpu.memory_space<hbm>> -> memref<1x640xf32, #tpu.memory_space<hbm>>
      %dma_start3A_303 = tpu.memref_squeeze %dma_start3A_302 : memref<1x640xf32, #tpu.memory_space<hbm>> -> memref<640xf32, #tpu.memory_space<hbm>>
      tpu.enqueue_dma source(%arg8 : memref<640xf32, #tpu.memory_space<vmem>>) target(%dma_start3A_303 : memref<640xf32, #tpu.memory_space<hbm>>) target_semaphore(%run_scoped3A : memref<!tpu.dma_semaphore, #tpu.memory_space<semaphore_mem>>)
      %dma_wait3A = tpu.memref_slice %arg5[%arg0, %mul3A_300] : memref<2x10240xf32, #tpu.memory_space<hbm>> -> memref<1x640xf32, #tpu.memory_space<hbm>>
      %dma_wait3A_304 = tpu.memref_squeeze %dma_wait3A : memref<1x640xf32, #tpu.memory_space<hbm>> -> memref<640xf32, #tpu.memory_space<hbm>>
      %dma_wait3A_305 = tpu.memref_slice %arg5[%arg0, %mul3A_300] : memref<2x10240xf32, #tpu.memory_space<hbm>> -> memref<1x640xf32, #tpu.memory_space<hbm>>
      %dma_wait3A_306 = tpu.memref_squeeze %dma_wait3A_305 : memref<1x640xf32, #tpu.memory_space<hbm>> -> memref<640xf32, #tpu.memory_space<hbm>>
      tpu.wait_dma2 semaphore(%run_scoped3A : memref<!tpu.dma_semaphore, #tpu.memory_space<semaphore_mem>>) src(%arg8 : memref<640xf32, #tpu.memory_space<vmem>>) dst(%dma_wait3A_306 : memref<640xf32, #tpu.memory_space<hbm>>)
      tpu.yield
    }) : () -> ()
    return
  }
}

#map = affine_map<(d0, d1) -> (0, 0)>
#map1 = affine_map<(d0, d1) -> (0)>
#map2 = affine_map<(d0, d1) -> (0, 0, 0)>
module attributes {stable_mosaic.version = 14 : i64} {
  func.func @_scatter_kernel(%arg0: i32, %arg1: i32, %arg2: memref<10240x128xf32, #tpu.memory_space<hbm>>, %arg3: memref<323584xi32, #tpu.memory_space<hbm>>, %arg4: memref<323584xi32, #tpu.memory_space<hbm>>, %arg5: memref<2x10240x128xf32, #tpu.memory_space<hbm>>, %arg6: memref<128xi32, #tpu.memory_space<vmem>>, %arg7: memref<128xi32, #tpu.memory_space<vmem>>, %arg8: memref<128x128xf32, #tpu.memory_space<vmem>>, %arg9: memref<!tpu.dma_semaphore, #tpu.memory_space<semaphore_mem>>, %arg10: memref<10240x128xf32, #tpu.memory_space<vmem_shared>>) attributes {dimension_semantics = [#tpu.dimension_semantics<core_parallel>, #tpu.dimension_semantics<subcore_parallel>], iteration_bounds = array<i64: 2, 16>, scalar_prefetch = 0 : i64, scratch_operands = 5 : i64, tpu.core_type = #tpu.core_type<sc_vector_subcore>, window_params = [{transform_indices = #map}, {transform_indices = #map1}, {transform_indices = #map1}, {transform_indices = #map2}]} {
    %mul3A = arith.constant 2 : i32
    %mul3A_0 = arith.muli %arg1, %mul3A : i32
    %add3A = arith.addi %mul3A_0, %arg0 : i32
    %scan3A = arith.constant 0 : i32
    %scan3A_1 = arith.constant 0 : i32
    %scan3A_2 = arith.constant 128 : i32
    %scan3A_3 = arith.addi %scan3A_1, %scan3A_2 : i32
    %scan3A_4 = arith.constant 1 : i32
    scf.for %scan3A_55 = %scan3A_1 to %scan3A_3 step %scan3A_4  : i32 {
      %broadcast_in_dim3A = arith.constant 0.000000e+00 : f32
      %broadcast_in_dim3A_56 = vector.broadcast %broadcast_in_dim3A : f32 to vector<16xf32>
      %swap3A = arith.index_cast %scan3A_55 : i32 to index
      %swap3A_57 = arith.constant 0 : index
      %swap3A_58 = tpu.vector_load %arg8[%swap3A, %swap3A_57] {strides = array<i32>} : memref<128x128xf32, #tpu.memory_space<vmem>>, vector<1x16xf32>,
      %swap3A_59 = vector.shape_cast %swap3A_58 : vector<1x16xf32> to vector<16xf32>
      %swap3A_60 = vector.shape_cast %broadcast_in_dim3A_56 : vector<16xf32> to vector<1x16xf32>
      tpu.vector_store %arg8[%swap3A, %swap3A_57], %swap3A_60 {strides = array<i32>} : memref<128x128xf32, #tpu.memory_space<vmem>>, vector<1x16xf32>,
      %broadcast_in_dim3A_61 = arith.constant 0.000000e+00 : f32
      %broadcast_in_dim3A_62 = vector.broadcast %broadcast_in_dim3A_61 : f32 to vector<16xf32>
      %swap3A_63 = arith.index_cast %scan3A_55 : i32 to index
      %swap3A_64 = arith.constant 16 : index
      %swap3A_65 = tpu.vector_load %arg8[%swap3A_63, %swap3A_64] {strides = array<i32>} : memref<128x128xf32, #tpu.memory_space<vmem>>, vector<1x16xf32>,
      %swap3A_66 = vector.shape_cast %swap3A_65 : vector<1x16xf32> to vector<16xf32>
      %swap3A_67 = vector.shape_cast %broadcast_in_dim3A_62 : vector<16xf32> to vector<1x16xf32>
      tpu.vector_store %arg8[%swap3A_63, %swap3A_64], %swap3A_67 {strides = array<i32>} : memref<128x128xf32, #tpu.memory_space<vmem>>, vector<1x16xf32>,
      %broadcast_in_dim3A_68 = arith.constant 0.000000e+00 : f32
      %broadcast_in_dim3A_69 = vector.broadcast %broadcast_in_dim3A_68 : f32 to vector<16xf32>
      %swap3A_70 = arith.index_cast %scan3A_55 : i32 to index
      %swap3A_71 = arith.constant 32 : index
      %swap3A_72 = tpu.vector_load %arg8[%swap3A_70, %swap3A_71] {strides = array<i32>} : memref<128x128xf32, #tpu.memory_space<vmem>>, vector<1x16xf32>,
      %swap3A_73 = vector.shape_cast %swap3A_72 : vector<1x16xf32> to vector<16xf32>
      %swap3A_74 = vector.shape_cast %broadcast_in_dim3A_69 : vector<16xf32> to vector<1x16xf32>
      tpu.vector_store %arg8[%swap3A_70, %swap3A_71], %swap3A_74 {strides = array<i32>} : memref<128x128xf32, #tpu.memory_space<vmem>>, vector<1x16xf32>,
      %broadcast_in_dim3A_75 = arith.constant 0.000000e+00 : f32
      %broadcast_in_dim3A_76 = vector.broadcast %broadcast_in_dim3A_75 : f32 to vector<16xf32>
      %swap3A_77 = arith.index_cast %scan3A_55 : i32 to index
      %swap3A_78 = arith.constant 48 : index
      %swap3A_79 = tpu.vector_load %arg8[%swap3A_77, %swap3A_78] {strides = array<i32>} : memref<128x128xf32, #tpu.memory_space<vmem>>, vector<1x16xf32>,
      %swap3A_80 = vector.shape_cast %swap3A_79 : vector<1x16xf32> to vector<16xf32>
      %swap3A_81 = vector.shape_cast %broadcast_in_dim3A_76 : vector<16xf32> to vector<1x16xf32>
      tpu.vector_store %arg8[%swap3A_77, %swap3A_78], %swap3A_81 {strides = array<i32>} : memref<128x128xf32, #tpu.memory_space<vmem>>, vector<1x16xf32>,
      %broadcast_in_dim3A_82 = arith.constant 0.000000e+00 : f32
      %broadcast_in_dim3A_83 = vector.broadcast %broadcast_in_dim3A_82 : f32 to vector<16xf32>
      %swap3A_84 = arith.index_cast %scan3A_55 : i32 to index
      %swap3A_85 = arith.constant 64 : index
      %swap3A_86 = tpu.vector_load %arg8[%swap3A_84, %swap3A_85] {strides = array<i32>} : memref<128x128xf32, #tpu.memory_space<vmem>>, vector<1x16xf32>,
      %swap3A_87 = vector.shape_cast %swap3A_86 : vector<1x16xf32> to vector<16xf32>
      %swap3A_88 = vector.shape_cast %broadcast_in_dim3A_83 : vector<16xf32> to vector<1x16xf32>
      tpu.vector_store %arg8[%swap3A_84, %swap3A_85], %swap3A_88 {strides = array<i32>} : memref<128x128xf32, #tpu.memory_space<vmem>>, vector<1x16xf32>,
      %broadcast_in_dim3A_89 = arith.constant 0.000000e+00 : f32
      %broadcast_in_dim3A_90 = vector.broadcast %broadcast_in_dim3A_89 : f32 to vector<16xf32>
      %swap3A_91 = arith.index_cast %scan3A_55 : i32 to index
      %swap3A_92 = arith.constant 80 : index
      %swap3A_93 = tpu.vector_load %arg8[%swap3A_91, %swap3A_92] {strides = array<i32>} : memref<128x128xf32, #tpu.memory_space<vmem>>, vector<1x16xf32>,
      %swap3A_94 = vector.shape_cast %swap3A_93 : vector<1x16xf32> to vector<16xf32>
      %swap3A_95 = vector.shape_cast %broadcast_in_dim3A_90 : vector<16xf32> to vector<1x16xf32>
      tpu.vector_store %arg8[%swap3A_91, %swap3A_92], %swap3A_95 {strides = array<i32>} : memref<128x128xf32, #tpu.memory_space<vmem>>, vector<1x16xf32>,
      %broadcast_in_dim3A_96 = arith.constant 0.000000e+00 : f32
      %broadcast_in_dim3A_97 = vector.broadcast %broadcast_in_dim3A_96 : f32 to vector<16xf32>
      %swap3A_98 = arith.index_cast %scan3A_55 : i32 to index
      %swap3A_99 = arith.constant 96 : index
      %swap3A_100 = tpu.vector_load %arg8[%swap3A_98, %swap3A_99] {strides = array<i32>} : memref<128x128xf32, #tpu.memory_space<vmem>>, vector<1x16xf32>,
      %swap3A_101 = vector.shape_cast %swap3A_100 : vector<1x16xf32> to vector<16xf32>
      %swap3A_102 = vector.shape_cast %broadcast_in_dim3A_97 : vector<16xf32> to vector<1x16xf32>
      tpu.vector_store %arg8[%swap3A_98, %swap3A_99], %swap3A_102 {strides = array<i32>} : memref<128x128xf32, #tpu.memory_space<vmem>>, vector<1x16xf32>,
      %broadcast_in_dim3A_103 = arith.constant 0.000000e+00 : f32
      %broadcast_in_dim3A_104 = vector.broadcast %broadcast_in_dim3A_103 : f32 to vector<16xf32>
      %swap3A_105 = arith.index_cast %scan3A_55 : i32 to index
      %swap3A_106 = arith.constant 112 : index
      %swap3A_107 = tpu.vector_load %arg8[%swap3A_105, %swap3A_106] {strides = array<i32>} : memref<128x128xf32, #tpu.memory_space<vmem>>, vector<1x16xf32>,
      %swap3A_108 = vector.shape_cast %swap3A_107 : vector<1x16xf32> to vector<16xf32>
      %swap3A_109 = vector.shape_cast %broadcast_in_dim3A_104 : vector<16xf32> to vector<1x16xf32>
      tpu.vector_store %arg8[%swap3A_105, %swap3A_106], %swap3A_109 {strides = array<i32>} : memref<128x128xf32, #tpu.memory_space<vmem>>, vector<1x16xf32>,
    }
    %scan3A_5 = arith.constant 128 : i32
    %mul3A_6 = arith.constant 640 : i32
    %mul3A_7 = arith.muli %arg1, %mul3A_6 : i32
    %add3A_8 = arith.constant 0 : i32
    %add3A_9 = arith.addi %mul3A_7, %add3A_8 : i32
    "tpu.region"() ({
      %run_scoped3A = tpu.sem_alloc : memref<!tpu.dma_semaphore, #tpu.memory_space<semaphore_mem>>
      %dma_start3A = arith.constant 0 : i32
      %dma_start3A_55 = tpu.memref_slice %arg10[%add3A_9, %dma_start3A] : memref<10240x128xf32, #tpu.memory_space<vmem_shared>> -> memref<128x128xf32, #tpu.memory_space<vmem_shared>>
      %dma_start3A_56 = arith.constant 0 : i32
      %dma_start3A_57 = tpu.memref_slice %arg10[%add3A_9, %dma_start3A_56] : memref<10240x128xf32, #tpu.memory_space<vmem_shared>> -> memref<128x128xf32, #tpu.memory_space<vmem_shared>>
      tpu.enqueue_dma source(%arg8 : memref<128x128xf32, #tpu.memory_space<vmem>>) target(%dma_start3A_57 : memref<128x128xf32, #tpu.memory_space<vmem_shared>>) target_semaphore(%run_scoped3A : memref<!tpu.dma_semaphore, #tpu.memory_space<semaphore_mem>>)
      %dma_wait3A = arith.constant 0 : i32
      %dma_wait3A_58 = tpu.memref_slice %arg10[%add3A_9, %dma_wait3A] : memref<10240x128xf32, #tpu.memory_space<vmem_shared>> -> memref<128x128xf32, #tpu.memory_space<vmem_shared>>
      %dma_wait3A_59 = arith.constant 0 : i32
      %dma_wait3A_60 = tpu.memref_slice %arg10[%add3A_9, %dma_wait3A_59] : memref<10240x128xf32, #tpu.memory_space<vmem_shared>> -> memref<128x128xf32, #tpu.memory_space<vmem_shared>>
      tpu.wait_dma2 semaphore(%run_scoped3A : memref<!tpu.dma_semaphore, #tpu.memory_space<semaphore_mem>>) src(%arg8 : memref<128x128xf32, #tpu.memory_space<vmem>>) dst(%dma_wait3A_60 : memref<128x128xf32, #tpu.memory_space<vmem_shared>>)
      tpu.yield
    }) : () -> ()
    %mul3A_10 = arith.constant 640 : i32
    %mul3A_11 = arith.muli %arg1, %mul3A_10 : i32
    %add3A_12 = arith.constant 128 : i32
    %add3A_13 = arith.addi %mul3A_11, %add3A_12 : i32
    "tpu.region"() ({
      %run_scoped3A = tpu.sem_alloc : memref<!tpu.dma_semaphore, #tpu.memory_space<semaphore_mem>>
      %dma_start3A = arith.constant 0 : i32
      %dma_start3A_55 = tpu.memref_slice %arg10[%add3A_13, %dma_start3A] : memref<10240x128xf32, #tpu.memory_space<vmem_shared>> -> memref<128x128xf32, #tpu.memory_space<vmem_shared>>
      %dma_start3A_56 = arith.constant 0 : i32
      %dma_start3A_57 = tpu.memref_slice %arg10[%add3A_13, %dma_start3A_56] : memref<10240x128xf32, #tpu.memory_space<vmem_shared>> -> memref<128x128xf32, #tpu.memory_space<vmem_shared>>
      tpu.enqueue_dma source(%arg8 : memref<128x128xf32, #tpu.memory_space<vmem>>) target(%dma_start3A_57 : memref<128x128xf32, #tpu.memory_space<vmem_shared>>) target_semaphore(%run_scoped3A : memref<!tpu.dma_semaphore, #tpu.memory_space<semaphore_mem>>)
      %dma_wait3A = arith.constant 0 : i32
      %dma_wait3A_58 = tpu.memref_slice %arg10[%add3A_13, %dma_wait3A] : memref<10240x128xf32, #tpu.memory_space<vmem_shared>> -> memref<128x128xf32, #tpu.memory_space<vmem_shared>>
      %dma_wait3A_59 = arith.constant 0 : i32
      %dma_wait3A_60 = tpu.memref_slice %arg10[%add3A_13, %dma_wait3A_59] : memref<10240x128xf32, #tpu.memory_space<vmem_shared>> -> memref<128x128xf32, #tpu.memory_space<vmem_shared>>
      tpu.wait_dma2 semaphore(%run_scoped3A : memref<!tpu.dma_semaphore, #tpu.memory_space<semaphore_mem>>) src(%arg8 : memref<128x128xf32, #tpu.memory_space<vmem>>) dst(%dma_wait3A_60 : memref<128x128xf32, #tpu.memory_space<vmem_shared>>)
      tpu.yield
    }) : () -> ()
    %mul3A_14 = arith.constant 640 : i32
    %mul3A_15 = arith.muli %arg1, %mul3A_14 : i32
    %add3A_16 = arith.constant 256 : i32
    %add3A_17 = arith.addi %mul3A_15, %add3A_16 : i32
    "tpu.region"() ({
      %run_scoped3A = tpu.sem_alloc : memref<!tpu.dma_semaphore, #tpu.memory_space<semaphore_mem>>
      %dma_start3A = arith.constant 0 : i32
      %dma_start3A_55 = tpu.memref_slice %arg10[%add3A_17, %dma_start3A] : memref<10240x128xf32, #tpu.memory_space<vmem_shared>> -> memref<128x128xf32, #tpu.memory_space<vmem_shared>>
      %dma_start3A_56 = arith.constant 0 : i32
      %dma_start3A_57 = tpu.memref_slice %arg10[%add3A_17, %dma_start3A_56] : memref<10240x128xf32, #tpu.memory_space<vmem_shared>> -> memref<128x128xf32, #tpu.memory_space<vmem_shared>>
      tpu.enqueue_dma source(%arg8 : memref<128x128xf32, #tpu.memory_space<vmem>>) target(%dma_start3A_57 : memref<128x128xf32, #tpu.memory_space<vmem_shared>>) target_semaphore(%run_scoped3A : memref<!tpu.dma_semaphore, #tpu.memory_space<semaphore_mem>>)
      %dma_wait3A = arith.constant 0 : i32
      %dma_wait3A_58 = tpu.memref_slice %arg10[%add3A_17, %dma_wait3A] : memref<10240x128xf32, #tpu.memory_space<vmem_shared>> -> memref<128x128xf32, #tpu.memory_space<vmem_shared>>
      %dma_wait3A_59 = arith.constant 0 : i32
      %dma_wait3A_60 = tpu.memref_slice %arg10[%add3A_17, %dma_wait3A_59] : memref<10240x128xf32, #tpu.memory_space<vmem_shared>> -> memref<128x128xf32, #tpu.memory_space<vmem_shared>>
      tpu.wait_dma2 semaphore(%run_scoped3A : memref<!tpu.dma_semaphore, #tpu.memory_space<semaphore_mem>>) src(%arg8 : memref<128x128xf32, #tpu.memory_space<vmem>>) dst(%dma_wait3A_60 : memref<128x128xf32, #tpu.memory_space<vmem_shared>>)
      tpu.yield
    }) : () -> ()
    %mul3A_18 = arith.constant 640 : i32
    %mul3A_19 = arith.muli %arg1, %mul3A_18 : i32
    %add3A_20 = arith.constant 384 : i32
    %add3A_21 = arith.addi %mul3A_19, %add3A_20 : i32
    "tpu.region"() ({
      %run_scoped3A = tpu.sem_alloc : memref<!tpu.dma_semaphore, #tpu.memory_space<semaphore_mem>>
      %dma_start3A = arith.constant 0 : i32
      %dma_start3A_55 = tpu.memref_slice %arg10[%add3A_21, %dma_start3A] : memref<10240x128xf32, #tpu.memory_space<vmem_shared>> -> memref<128x128xf32, #tpu.memory_space<vmem_shared>>
      %dma_start3A_56 = arith.constant 0 : i32
      %dma_start3A_57 = tpu.memref_slice %arg10[%add3A_21, %dma_start3A_56] : memref<10240x128xf32, #tpu.memory_space<vmem_shared>> -> memref<128x128xf32, #tpu.memory_space<vmem_shared>>
      tpu.enqueue_dma source(%arg8 : memref<128x128xf32, #tpu.memory_space<vmem>>) target(%dma_start3A_57 : memref<128x128xf32, #tpu.memory_space<vmem_shared>>) target_semaphore(%run_scoped3A : memref<!tpu.dma_semaphore, #tpu.memory_space<semaphore_mem>>)
      %dma_wait3A = arith.constant 0 : i32
      %dma_wait3A_58 = tpu.memref_slice %arg10[%add3A_21, %dma_wait3A] : memref<10240x128xf32, #tpu.memory_space<vmem_shared>> -> memref<128x128xf32, #tpu.memory_space<vmem_shared>>
      %dma_wait3A_59 = arith.constant 0 : i32
      %dma_wait3A_60 = tpu.memref_slice %arg10[%add3A_21, %dma_wait3A_59] : memref<10240x128xf32, #tpu.memory_space<vmem_shared>> -> memref<128x128xf32, #tpu.memory_space<vmem_shared>>
      tpu.wait_dma2 semaphore(%run_scoped3A : memref<!tpu.dma_semaphore, #tpu.memory_space<semaphore_mem>>) src(%arg8 : memref<128x128xf32, #tpu.memory_space<vmem>>) dst(%dma_wait3A_60 : memref<128x128xf32, #tpu.memory_space<vmem_shared>>)
      tpu.yield
    }) : () -> ()
    %mul3A_22 = arith.constant 640 : i32
    %mul3A_23 = arith.muli %arg1, %mul3A_22 : i32
    %add3A_24 = arith.constant 512 : i32
    %add3A_25 = arith.addi %mul3A_23, %add3A_24 : i32
    "tpu.region"() ({
      %run_scoped3A = tpu.sem_alloc : memref<!tpu.dma_semaphore, #tpu.memory_space<semaphore_mem>>
      %dma_start3A = arith.constant 0 : i32
      %dma_start3A_55 = tpu.memref_slice %arg10[%add3A_25, %dma_start3A] : memref<10240x128xf32, #tpu.memory_space<vmem_shared>> -> memref<128x128xf32, #tpu.memory_space<vmem_shared>>
      %dma_start3A_56 = arith.constant 0 : i32
      %dma_start3A_57 = tpu.memref_slice %arg10[%add3A_25, %dma_start3A_56] : memref<10240x128xf32, #tpu.memory_space<vmem_shared>> -> memref<128x128xf32, #tpu.memory_space<vmem_shared>>
      tpu.enqueue_dma source(%arg8 : memref<128x128xf32, #tpu.memory_space<vmem>>) target(%dma_start3A_57 : memref<128x128xf32, #tpu.memory_space<vmem_shared>>) target_semaphore(%run_scoped3A : memref<!tpu.dma_semaphore, #tpu.memory_space<semaphore_mem>>)
      %dma_wait3A = arith.constant 0 : i32
      %dma_wait3A_58 = tpu.memref_slice %arg10[%add3A_25, %dma_wait3A] : memref<10240x128xf32, #tpu.memory_space<vmem_shared>> -> memref<128x128xf32, #tpu.memory_space<vmem_shared>>
      %dma_wait3A_59 = arith.constant 0 : i32
      %dma_wait3A_60 = tpu.memref_slice %arg10[%add3A_25, %dma_wait3A_59] : memref<10240x128xf32, #tpu.memory_space<vmem_shared>> -> memref<128x128xf32, #tpu.memory_space<vmem_shared>>
      tpu.wait_dma2 semaphore(%run_scoped3A : memref<!tpu.dma_semaphore, #tpu.memory_space<semaphore_mem>>) src(%arg8 : memref<128x128xf32, #tpu.memory_space<vmem>>) dst(%dma_wait3A_60 : memref<128x128xf32, #tpu.memory_space<vmem_shared>>)
      tpu.yield
    }) : () -> ()
    %barrier3A = arith.constant 0 : index
    tpu.barrier barrier_id(%barrier3A)
    %mul3A_26 = arith.constant 10112 : i32
    %mul3A_27 = arith.muli %add3A, %mul3A_26 : i32
    %scan3A_28 = arith.constant 0 : i32
    %scan3A_29 = arith.constant 0 : i32
    %scan3A_30 = arith.constant 79 : i32
    %scan3A_31 = arith.addi %scan3A_29, %scan3A_30 : i32
    %scan3A_32 = arith.constant 1 : i32
    scf.for %scan3A_55 = %scan3A_29 to %scan3A_31 step %scan3A_32  : i32 {
      %mul3A_56 = arith.constant 128 : i32
      %mul3A_57 = arith.muli %scan3A_55, %mul3A_56 : i32
      %add3A_58 = arith.addi %mul3A_27, %mul3A_57 : i32
      "tpu.region"() ({
        %run_scoped3A = tpu.sem_alloc : memref<!tpu.dma_semaphore, #tpu.memory_space<semaphore_mem>>
        %dma_start3A_63 = tpu.memref_slice %arg3[%add3A_58] : memref<323584xi32, #tpu.memory_space<hbm>> -> memref<128xi32, #tpu.memory_space<hbm>>
        %dma_start3A_64 = tpu.memref_slice %arg3[%add3A_58] : memref<323584xi32, #tpu.memory_space<hbm>> -> memref<128xi32, #tpu.memory_space<hbm>>
        tpu.enqueue_dma source(%dma_start3A_64 : memref<128xi32, #tpu.memory_space<hbm>>) target(%arg6 : memref<128xi32, #tpu.memory_space<vmem>>) target_semaphore(%run_scoped3A : memref<!tpu.dma_semaphore, #tpu.memory_space<semaphore_mem>>)
        %dma_wait3A_65 = tpu.memref_slice %arg3[%add3A_58] : memref<323584xi32, #tpu.memory_space<hbm>> -> memref<128xi32, #tpu.memory_space<hbm>>
        %dma_wait3A_66 = tpu.memref_slice %arg3[%add3A_58] : memref<323584xi32, #tpu.memory_space<hbm>> -> memref<128xi32, #tpu.memory_space<hbm>>
        tpu.wait_dma2 semaphore(%run_scoped3A : memref<!tpu.dma_semaphore, #tpu.memory_space<semaphore_mem>>) src(%dma_wait3A_66 : memref<128xi32, #tpu.memory_space<hbm>>) dst(%arg6 : memref<128xi32, #tpu.memory_space<vmem>>)
        tpu.yield
      }) : () -> ()
      "tpu.region"() ({
        %run_scoped3A = tpu.sem_alloc : memref<!tpu.dma_semaphore, #tpu.memory_space<semaphore_mem>>
        %dma_start3A_63 = tpu.memref_slice %arg4[%add3A_58] : memref<323584xi32, #tpu.memory_space<hbm>> -> memref<128xi32, #tpu.memory_space<hbm>>
        %dma_start3A_64 = tpu.memref_slice %arg4[%add3A_58] : memref<323584xi32, #tpu.memory_space<hbm>> -> memref<128xi32, #tpu.memory_space<hbm>>
        tpu.enqueue_dma source(%dma_start3A_64 : memref<128xi32, #tpu.memory_space<hbm>>) target(%arg7 : memref<128xi32, #tpu.memory_space<vmem>>) target_semaphore(%run_scoped3A : memref<!tpu.dma_semaphore, #tpu.memory_space<semaphore_mem>>)
        %dma_wait3A_65 = tpu.memref_slice %arg4[%add3A_58] : memref<323584xi32, #tpu.memory_space<hbm>> -> memref<128xi32, #tpu.memory_space<hbm>>
        %dma_wait3A_66 = tpu.memref_slice %arg4[%add3A_58] : memref<323584xi32, #tpu.memory_space<hbm>> -> memref<128xi32, #tpu.memory_space<hbm>>
        tpu.wait_dma2 semaphore(%run_scoped3A : memref<!tpu.dma_semaphore, #tpu.memory_space<semaphore_mem>>) src(%dma_wait3A_66 : memref<128xi32, #tpu.memory_space<hbm>>) dst(%arg7 : memref<128xi32, #tpu.memory_space<vmem>>)
        tpu.yield
      }) : () -> ()
      %dma_start3A = arith.constant 0 : i32
      %dma_start3A_59 = arith.constant 0 : i32
      %dma_start3A_60 = tpu.memref_slice %arg2[%dma_start3A, %dma_start3A_59] : memref<10240x128xf32, #tpu.memory_space<hbm>> -> memref<10240x128xf32, #tpu.memory_space<hbm>>
      tpu.enqueue_indirect_dma source(%dma_start3A_60 : memref<10240x128xf32, #tpu.memory_space<hbm>>) target(%arg8 : memref<128x128xf32, #tpu.memory_space<vmem>>) offsets(%arg6 : memref<128xi32, #tpu.memory_space<vmem>>) semaphore(%arg9 : memref<!tpu.dma_semaphore, #tpu.memory_space<semaphore_mem>>)
      %dma_wait3A = arith.constant 0 : i32
      %dma_wait3A_61 = arith.constant 0 : i32
      %dma_wait3A_62 = tpu.memref_slice %arg2[%dma_wait3A, %dma_wait3A_61] : memref<10240x128xf32, #tpu.memory_space<hbm>> -> memref<10240x128xf32, #tpu.memory_space<hbm>>
      tpu.wait_indirect_dma semaphore(%arg9 : memref<!tpu.dma_semaphore, #tpu.memory_space<semaphore_mem>>) src(%dma_wait3A_62 : memref<10240x128xf32, #tpu.memory_space<hbm>>) dst(%arg8 : memref<128x128xf32, #tpu.memory_space<vmem>>)
      "tpu.region"() ({
        %run_scoped3A = tpu.sem_alloc : memref<!tpu.dma_semaphore, #tpu.memory_space<semaphore_mem>>
        %dma_start3A_63 = arith.constant 0 : i32
        %dma_start3A_64 = arith.constant 0 : i32
        %dma_start3A_65 = tpu.memref_slice %arg10[%dma_start3A_63, %dma_start3A_64] : memref<10240x128xf32, #tpu.memory_space<vmem_shared>> -> memref<10240x128xf32, #tpu.memory_space<vmem_shared>>
        tpu.enqueue_indirect_dma source(%arg8 : memref<128x128xf32, #tpu.memory_space<vmem>>) target(%dma_start3A_65 : memref<10240x128xf32, #tpu.memory_space<vmem_shared>>) offsets(%arg7 : memref<128xi32, #tpu.memory_space<vmem>>) semaphore(%run_scoped3A : memref<!tpu.dma_semaphore, #tpu.memory_space<semaphore_mem>>) {add = true}
        %dma_wait3A_66 = arith.constant 0 : i32
        %dma_wait3A_67 = arith.constant 0 : i32
        %dma_wait3A_68 = tpu.memref_slice %arg10[%dma_wait3A_66, %dma_wait3A_67] : memref<10240x128xf32, #tpu.memory_space<vmem_shared>> -> memref<10240x128xf32, #tpu.memory_space<vmem_shared>>
        tpu.wait_indirect_dma semaphore(%run_scoped3A : memref<!tpu.dma_semaphore, #tpu.memory_space<semaphore_mem>>) src(%arg8 : memref<128x128xf32, #tpu.memory_space<vmem>>) dst(%dma_wait3A_68 : memref<10240x128xf32, #tpu.memory_space<vmem_shared>>)
        tpu.yield
      }) : () -> ()
    }
    %scan3A_33 = arith.constant 79 : i32
    %barrier3A_34 = arith.constant 0 : index
    tpu.barrier barrier_id(%barrier3A_34)
    %mul3A_35 = arith.constant 640 : i32
    %mul3A_36 = arith.muli %arg1, %mul3A_35 : i32
    %add3A_37 = arith.constant 0 : i32
    %add3A_38 = arith.addi %mul3A_36, %add3A_37 : i32
    "tpu.region"() ({
      %run_scoped3A = tpu.sem_alloc : memref<!tpu.dma_semaphore, #tpu.memory_space<semaphore_mem>>
      %dma_start3A = arith.constant 0 : i32
      %dma_start3A_55 = tpu.memref_slice %arg10[%add3A_38, %dma_start3A] : memref<10240x128xf32, #tpu.memory_space<vmem_shared>> -> memref<128x128xf32, #tpu.memory_space<vmem_shared>>
      %dma_start3A_56 = arith.constant 0 : i32
      %dma_start3A_57 = tpu.memref_slice %arg10[%add3A_38, %dma_start3A_56] : memref<10240x128xf32, #tpu.memory_space<vmem_shared>> -> memref<128x128xf32, #tpu.memory_space<vmem_shared>>
      tpu.enqueue_dma source(%dma_start3A_57 : memref<128x128xf32, #tpu.memory_space<vmem_shared>>) target(%arg8 : memref<128x128xf32, #tpu.memory_space<vmem>>) target_semaphore(%run_scoped3A : memref<!tpu.dma_semaphore, #tpu.memory_space<semaphore_mem>>)
      %dma_wait3A = arith.constant 0 : i32
      %dma_wait3A_58 = tpu.memref_slice %arg10[%add3A_38, %dma_wait3A] : memref<10240x128xf32, #tpu.memory_space<vmem_shared>> -> memref<128x128xf32, #tpu.memory_space<vmem_shared>>
      %dma_wait3A_59 = arith.constant 0 : i32
      %dma_wait3A_60 = tpu.memref_slice %arg10[%add3A_38, %dma_wait3A_59] : memref<10240x128xf32, #tpu.memory_space<vmem_shared>> -> memref<128x128xf32, #tpu.memory_space<vmem_shared>>
      tpu.wait_dma2 semaphore(%run_scoped3A : memref<!tpu.dma_semaphore, #tpu.memory_space<semaphore_mem>>) src(%dma_wait3A_60 : memref<128x128xf32, #tpu.memory_space<vmem_shared>>) dst(%arg8 : memref<128x128xf32, #tpu.memory_space<vmem>>)
      tpu.yield
    }) : () -> ()
    "tpu.region"() ({
      %run_scoped3A = tpu.sem_alloc : memref<!tpu.dma_semaphore, #tpu.memory_space<semaphore_mem>>
      %dma_start3A = arith.constant 0 : i32
      %dma_start3A_55 = tpu.memref_slice %arg5[%arg0, %add3A_38, %dma_start3A] : memref<2x10240x128xf32, #tpu.memory_space<hbm>> -> memref<1x128x128xf32, #tpu.memory_space<hbm>>
      %dma_start3A_56 = tpu.memref_squeeze %dma_start3A_55 : memref<1x128x128xf32, #tpu.memory_space<hbm>> -> memref<128x128xf32, #tpu.memory_space<hbm>>
      %dma_start3A_57 = arith.constant 0 : i32
      %dma_start3A_58 = tpu.memref_slice %arg5[%arg0, %add3A_38, %dma_start3A_57] : memref<2x10240x128xf32, #tpu.memory_space<hbm>> -> memref<1x128x128xf32, #tpu.memory_space<hbm>>
      %dma_start3A_59 = tpu.memref_squeeze %dma_start3A_58 : memref<1x128x128xf32, #tpu.memory_space<hbm>> -> memref<128x128xf32, #tpu.memory_space<hbm>>
      tpu.enqueue_dma source(%arg8 : memref<128x128xf32, #tpu.memory_space<vmem>>) target(%dma_start3A_59 : memref<128x128xf32, #tpu.memory_space<hbm>>) target_semaphore(%run_scoped3A : memref<!tpu.dma_semaphore, #tpu.memory_space<semaphore_mem>>)
      %dma_wait3A = arith.constant 0 : i32
      %dma_wait3A_60 = tpu.memref_slice %arg5[%arg0, %add3A_38, %dma_wait3A] : memref<2x10240x128xf32, #tpu.memory_space<hbm>> -> memref<1x128x128xf32, #tpu.memory_space<hbm>>
      %dma_wait3A_61 = tpu.memref_squeeze %dma_wait3A_60 : memref<1x128x128xf32, #tpu.memory_space<hbm>> -> memref<128x128xf32, #tpu.memory_space<hbm>>
      %dma_wait3A_62 = arith.constant 0 : i32
      %dma_wait3A_63 = tpu.memref_slice %arg5[%arg0, %add3A_38, %dma_wait3A_62] : memref<2x10240x128xf32, #tpu.memory_space<hbm>> -> memref<1x128x128xf32, #tpu.memory_space<hbm>>
      %dma_wait3A_64 = tpu.memref_squeeze %dma_wait3A_63 : memref<1x128x128xf32, #tpu.memory_space<hbm>> -> memref<128x128xf32, #tpu.memory_space<hbm>>
      tpu.wait_dma2 semaphore(%run_scoped3A : memref<!tpu.dma_semaphore, #tpu.memory_space<semaphore_mem>>) src(%arg8 : memref<128x128xf32, #tpu.memory_space<vmem>>) dst(%dma_wait3A_64 : memref<128x128xf32, #tpu.memory_space<hbm>>)
      tpu.yield
    }) : () -> ()
    %mul3A_39 = arith.constant 640 : i32
    %mul3A_40 = arith.muli %arg1, %mul3A_39 : i32
    %add3A_41 = arith.constant 128 : i32
    %add3A_42 = arith.addi %mul3A_40, %add3A_41 : i32
    "tpu.region"() ({
      %run_scoped3A = tpu.sem_alloc : memref<!tpu.dma_semaphore, #tpu.memory_space<semaphore_mem>>
      %dma_start3A = arith.constant 0 : i32
      %dma_start3A_55 = tpu.memref_slice %arg10[%add3A_42, %dma_start3A] : memref<10240x128xf32, #tpu.memory_space<vmem_shared>> -> memref<128x128xf32, #tpu.memory_space<vmem_shared>>
      %dma_start3A_56 = arith.constant 0 : i32
      %dma_start3A_57 = tpu.memref_slice %arg10[%add3A_42, %dma_start3A_56] : memref<10240x128xf32, #tpu.memory_space<vmem_shared>> -> memref<128x128xf32, #tpu.memory_space<vmem_shared>>
      tpu.enqueue_dma source(%dma_start3A_57 : memref<128x128xf32, #tpu.memory_space<vmem_shared>>) target(%arg8 : memref<128x128xf32, #tpu.memory_space<vmem>>) target_semaphore(%run_scoped3A : memref<!tpu.dma_semaphore, #tpu.memory_space<semaphore_mem>>)
      %dma_wait3A = arith.constant 0 : i32
      %dma_wait3A_58 = tpu.memref_slice %arg10[%add3A_42, %dma_wait3A] : memref<10240x128xf32, #tpu.memory_space<vmem_shared>> -> memref<128x128xf32, #tpu.memory_space<vmem_shared>>
      %dma_wait3A_59 = arith.constant 0 : i32
      %dma_wait3A_60 = tpu.memref_slice %arg10[%add3A_42, %dma_wait3A_59] : memref<10240x128xf32, #tpu.memory_space<vmem_shared>> -> memref<128x128xf32, #tpu.memory_space<vmem_shared>>
      tpu.wait_dma2 semaphore(%run_scoped3A : memref<!tpu.dma_semaphore, #tpu.memory_space<semaphore_mem>>) src(%dma_wait3A_60 : memref<128x128xf32, #tpu.memory_space<vmem_shared>>) dst(%arg8 : memref<128x128xf32, #tpu.memory_space<vmem>>)
      tpu.yield
    }) : () -> ()
    "tpu.region"() ({
      %run_scoped3A = tpu.sem_alloc : memref<!tpu.dma_semaphore, #tpu.memory_space<semaphore_mem>>
      %dma_start3A = arith.constant 0 : i32
      %dma_start3A_55 = tpu.memref_slice %arg5[%arg0, %add3A_42, %dma_start3A] : memref<2x10240x128xf32, #tpu.memory_space<hbm>> -> memref<1x128x128xf32, #tpu.memory_space<hbm>>
      %dma_start3A_56 = tpu.memref_squeeze %dma_start3A_55 : memref<1x128x128xf32, #tpu.memory_space<hbm>> -> memref<128x128xf32, #tpu.memory_space<hbm>>
      %dma_start3A_57 = arith.constant 0 : i32
      %dma_start3A_58 = tpu.memref_slice %arg5[%arg0, %add3A_42, %dma_start3A_57] : memref<2x10240x128xf32, #tpu.memory_space<hbm>> -> memref<1x128x128xf32, #tpu.memory_space<hbm>>
      %dma_start3A_59 = tpu.memref_squeeze %dma_start3A_58 : memref<1x128x128xf32, #tpu.memory_space<hbm>> -> memref<128x128xf32, #tpu.memory_space<hbm>>
      tpu.enqueue_dma source(%arg8 : memref<128x128xf32, #tpu.memory_space<vmem>>) target(%dma_start3A_59 : memref<128x128xf32, #tpu.memory_space<hbm>>) target_semaphore(%run_scoped3A : memref<!tpu.dma_semaphore, #tpu.memory_space<semaphore_mem>>)
      %dma_wait3A = arith.constant 0 : i32
      %dma_wait3A_60 = tpu.memref_slice %arg5[%arg0, %add3A_42, %dma_wait3A] : memref<2x10240x128xf32, #tpu.memory_space<hbm>> -> memref<1x128x128xf32, #tpu.memory_space<hbm>>
      %dma_wait3A_61 = tpu.memref_squeeze %dma_wait3A_60 : memref<1x128x128xf32, #tpu.memory_space<hbm>> -> memref<128x128xf32, #tpu.memory_space<hbm>>
      %dma_wait3A_62 = arith.constant 0 : i32
      %dma_wait3A_63 = tpu.memref_slice %arg5[%arg0, %add3A_42, %dma_wait3A_62] : memref<2x10240x128xf32, #tpu.memory_space<hbm>> -> memref<1x128x128xf32, #tpu.memory_space<hbm>>
      %dma_wait3A_64 = tpu.memref_squeeze %dma_wait3A_63 : memref<1x128x128xf32, #tpu.memory_space<hbm>> -> memref<128x128xf32, #tpu.memory_space<hbm>>
      tpu.wait_dma2 semaphore(%run_scoped3A : memref<!tpu.dma_semaphore, #tpu.memory_space<semaphore_mem>>) src(%arg8 : memref<128x128xf32, #tpu.memory_space<vmem>>) dst(%dma_wait3A_64 : memref<128x128xf32, #tpu.memory_space<hbm>>)
      tpu.yield
    }) : () -> ()
    %mul3A_43 = arith.constant 640 : i32
    %mul3A_44 = arith.muli %arg1, %mul3A_43 : i32
    %add3A_45 = arith.constant 256 : i32
    %add3A_46 = arith.addi %mul3A_44, %add3A_45 : i32
    "tpu.region"() ({
      %run_scoped3A = tpu.sem_alloc : memref<!tpu.dma_semaphore, #tpu.memory_space<semaphore_mem>>
      %dma_start3A = arith.constant 0 : i32
      %dma_start3A_55 = tpu.memref_slice %arg10[%add3A_46, %dma_start3A] : memref<10240x128xf32, #tpu.memory_space<vmem_shared>> -> memref<128x128xf32, #tpu.memory_space<vmem_shared>>
      %dma_start3A_56 = arith.constant 0 : i32
      %dma_start3A_57 = tpu.memref_slice %arg10[%add3A_46, %dma_start3A_56] : memref<10240x128xf32, #tpu.memory_space<vmem_shared>> -> memref<128x128xf32, #tpu.memory_space<vmem_shared>>
      tpu.enqueue_dma source(%dma_start3A_57 : memref<128x128xf32, #tpu.memory_space<vmem_shared>>) target(%arg8 : memref<128x128xf32, #tpu.memory_space<vmem>>) target_semaphore(%run_scoped3A : memref<!tpu.dma_semaphore, #tpu.memory_space<semaphore_mem>>)
      %dma_wait3A = arith.constant 0 : i32
      %dma_wait3A_58 = tpu.memref_slice %arg10[%add3A_46, %dma_wait3A] : memref<10240x128xf32, #tpu.memory_space<vmem_shared>> -> memref<128x128xf32, #tpu.memory_space<vmem_shared>>
      %dma_wait3A_59 = arith.constant 0 : i32
      %dma_wait3A_60 = tpu.memref_slice %arg10[%add3A_46, %dma_wait3A_59] : memref<10240x128xf32, #tpu.memory_space<vmem_shared>> -> memref<128x128xf32, #tpu.memory_space<vmem_shared>>
      tpu.wait_dma2 semaphore(%run_scoped3A : memref<!tpu.dma_semaphore, #tpu.memory_space<semaphore_mem>>) src(%dma_wait3A_60 : memref<128x128xf32, #tpu.memory_space<vmem_shared>>) dst(%arg8 : memref<128x128xf32, #tpu.memory_space<vmem>>)
      tpu.yield
    }) : () -> ()
    "tpu.region"() ({
      %run_scoped3A = tpu.sem_alloc : memref<!tpu.dma_semaphore, #tpu.memory_space<semaphore_mem>>
      %dma_start3A = arith.constant 0 : i32
      %dma_start3A_55 = tpu.memref_slice %arg5[%arg0, %add3A_46, %dma_start3A] : memref<2x10240x128xf32, #tpu.memory_space<hbm>> -> memref<1x128x128xf32, #tpu.memory_space<hbm>>
      %dma_start3A_56 = tpu.memref_squeeze %dma_start3A_55 : memref<1x128x128xf32, #tpu.memory_space<hbm>> -> memref<128x128xf32, #tpu.memory_space<hbm>>
      %dma_start3A_57 = arith.constant 0 : i32
      %dma_start3A_58 = tpu.memref_slice %arg5[%arg0, %add3A_46, %dma_start3A_57] : memref<2x10240x128xf32, #tpu.memory_space<hbm>> -> memref<1x128x128xf32, #tpu.memory_space<hbm>>
      %dma_start3A_59 = tpu.memref_squeeze %dma_start3A_58 : memref<1x128x128xf32, #tpu.memory_space<hbm>> -> memref<128x128xf32, #tpu.memory_space<hbm>>
      tpu.enqueue_dma source(%arg8 : memref<128x128xf32, #tpu.memory_space<vmem>>) target(%dma_start3A_59 : memref<128x128xf32, #tpu.memory_space<hbm>>) target_semaphore(%run_scoped3A : memref<!tpu.dma_semaphore, #tpu.memory_space<semaphore_mem>>)
      %dma_wait3A = arith.constant 0 : i32
      %dma_wait3A_60 = tpu.memref_slice %arg5[%arg0, %add3A_46, %dma_wait3A] : memref<2x10240x128xf32, #tpu.memory_space<hbm>> -> memref<1x128x128xf32, #tpu.memory_space<hbm>>
      %dma_wait3A_61 = tpu.memref_squeeze %dma_wait3A_60 : memref<1x128x128xf32, #tpu.memory_space<hbm>> -> memref<128x128xf32, #tpu.memory_space<hbm>>
      %dma_wait3A_62 = arith.constant 0 : i32
      %dma_wait3A_63 = tpu.memref_slice %arg5[%arg0, %add3A_46, %dma_wait3A_62] : memref<2x10240x128xf32, #tpu.memory_space<hbm>> -> memref<1x128x128xf32, #tpu.memory_space<hbm>>
      %dma_wait3A_64 = tpu.memref_squeeze %dma_wait3A_63 : memref<1x128x128xf32, #tpu.memory_space<hbm>> -> memref<128x128xf32, #tpu.memory_space<hbm>>
      tpu.wait_dma2 semaphore(%run_scoped3A : memref<!tpu.dma_semaphore, #tpu.memory_space<semaphore_mem>>) src(%arg8 : memref<128x128xf32, #tpu.memory_space<vmem>>) dst(%dma_wait3A_64 : memref<128x128xf32, #tpu.memory_space<hbm>>)
      tpu.yield
    }) : () -> ()
    %mul3A_47 = arith.constant 640 : i32
    %mul3A_48 = arith.muli %arg1, %mul3A_47 : i32
    %add3A_49 = arith.constant 384 : i32
    %add3A_50 = arith.addi %mul3A_48, %add3A_49 : i32
    "tpu.region"() ({
      %run_scoped3A = tpu.sem_alloc : memref<!tpu.dma_semaphore, #tpu.memory_space<semaphore_mem>>
      %dma_start3A = arith.constant 0 : i32
      %dma_start3A_55 = tpu.memref_slice %arg10[%add3A_50, %dma_start3A] : memref<10240x128xf32, #tpu.memory_space<vmem_shared>> -> memref<128x128xf32, #tpu.memory_space<vmem_shared>>
      %dma_start3A_56 = arith.constant 0 : i32
      %dma_start3A_57 = tpu.memref_slice %arg10[%add3A_50, %dma_start3A_56] : memref<10240x128xf32, #tpu.memory_space<vmem_shared>> -> memref<128x128xf32, #tpu.memory_space<vmem_shared>>
      tpu.enqueue_dma source(%dma_start3A_57 : memref<128x128xf32, #tpu.memory_space<vmem_shared>>) target(%arg8 : memref<128x128xf32, #tpu.memory_space<vmem>>) target_semaphore(%run_scoped3A : memref<!tpu.dma_semaphore, #tpu.memory_space<semaphore_mem>>)
      %dma_wait3A = arith.constant 0 : i32
      %dma_wait3A_58 = tpu.memref_slice %arg10[%add3A_50, %dma_wait3A] : memref<10240x128xf32, #tpu.memory_space<vmem_shared>> -> memref<128x128xf32, #tpu.memory_space<vmem_shared>>
      %dma_wait3A_59 = arith.constant 0 : i32
      %dma_wait3A_60 = tpu.memref_slice %arg10[%add3A_50, %dma_wait3A_59] : memref<10240x128xf32, #tpu.memory_space<vmem_shared>> -> memref<128x128xf32, #tpu.memory_space<vmem_shared>>
      tpu.wait_dma2 semaphore(%run_scoped3A : memref<!tpu.dma_semaphore, #tpu.memory_space<semaphore_mem>>) src(%dma_wait3A_60 : memref<128x128xf32, #tpu.memory_space<vmem_shared>>) dst(%arg8 : memref<128x128xf32, #tpu.memory_space<vmem>>)
      tpu.yield
    }) : () -> ()
    "tpu.region"() ({
      %run_scoped3A = tpu.sem_alloc : memref<!tpu.dma_semaphore, #tpu.memory_space<semaphore_mem>>
      %dma_start3A = arith.constant 0 : i32
      %dma_start3A_55 = tpu.memref_slice %arg5[%arg0, %add3A_50, %dma_start3A] : memref<2x10240x128xf32, #tpu.memory_space<hbm>> -> memref<1x128x128xf32, #tpu.memory_space<hbm>>
      %dma_start3A_56 = tpu.memref_squeeze %dma_start3A_55 : memref<1x128x128xf32, #tpu.memory_space<hbm>> -> memref<128x128xf32, #tpu.memory_space<hbm>>
      %dma_start3A_57 = arith.constant 0 : i32
      %dma_start3A_58 = tpu.memref_slice %arg5[%arg0, %add3A_50, %dma_start3A_57] : memref<2x10240x128xf32, #tpu.memory_space<hbm>> -> memref<1x128x128xf32, #tpu.memory_space<hbm>>
      %dma_start3A_59 = tpu.memref_squeeze %dma_start3A_58 : memref<1x128x128xf32, #tpu.memory_space<hbm>> -> memref<128x128xf32, #tpu.memory_space<hbm>>
      tpu.enqueue_dma source(%arg8 : memref<128x128xf32, #tpu.memory_space<vmem>>) target(%dma_start3A_59 : memref<128x128xf32, #tpu.memory_space<hbm>>) target_semaphore(%run_scoped3A : memref<!tpu.dma_semaphore, #tpu.memory_space<semaphore_mem>>)
      %dma_wait3A = arith.constant 0 : i32
      %dma_wait3A_60 = tpu.memref_slice %arg5[%arg0, %add3A_50, %dma_wait3A] : memref<2x10240x128xf32, #tpu.memory_space<hbm>> -> memref<1x128x128xf32, #tpu.memory_space<hbm>>
      %dma_wait3A_61 = tpu.memref_squeeze %dma_wait3A_60 : memref<1x128x128xf32, #tpu.memory_space<hbm>> -> memref<128x128xf32, #tpu.memory_space<hbm>>
      %dma_wait3A_62 = arith.constant 0 : i32
      %dma_wait3A_63 = tpu.memref_slice %arg5[%arg0, %add3A_50, %dma_wait3A_62] : memref<2x10240x128xf32, #tpu.memory_space<hbm>> -> memref<1x128x128xf32, #tpu.memory_space<hbm>>
      %dma_wait3A_64 = tpu.memref_squeeze %dma_wait3A_63 : memref<1x128x128xf32, #tpu.memory_space<hbm>> -> memref<128x128xf32, #tpu.memory_space<hbm>>
      tpu.wait_dma2 semaphore(%run_scoped3A : memref<!tpu.dma_semaphore, #tpu.memory_space<semaphore_mem>>) src(%arg8 : memref<128x128xf32, #tpu.memory_space<vmem>>) dst(%dma_wait3A_64 : memref<128x128xf32, #tpu.memory_space<hbm>>)
      tpu.yield
    }) : () -> ()
    %mul3A_51 = arith.constant 640 : i32
    %mul3A_52 = arith.muli %arg1, %mul3A_51 : i32
    %add3A_53 = arith.constant 512 : i32
    %add3A_54 = arith.addi %mul3A_52, %add3A_53 : i32
    "tpu.region"() ({
      %run_scoped3A = tpu.sem_alloc : memref<!tpu.dma_semaphore, #tpu.memory_space<semaphore_mem>>
      %dma_start3A = arith.constant 0 : i32
      %dma_start3A_55 = tpu.memref_slice %arg10[%add3A_54, %dma_start3A] : memref<10240x128xf32, #tpu.memory_space<vmem_shared>> -> memref<128x128xf32, #tpu.memory_space<vmem_shared>>
      %dma_start3A_56 = arith.constant 0 : i32
      %dma_start3A_57 = tpu.memref_slice %arg10[%add3A_54, %dma_start3A_56] : memref<10240x128xf32, #tpu.memory_space<vmem_shared>> -> memref<128x128xf32, #tpu.memory_space<vmem_shared>>
      tpu.enqueue_dma source(%dma_start3A_57 : memref<128x128xf32, #tpu.memory_space<vmem_shared>>) target(%arg8 : memref<128x128xf32, #tpu.memory_space<vmem>>) target_semaphore(%run_scoped3A : memref<!tpu.dma_semaphore, #tpu.memory_space<semaphore_mem>>)
      %dma_wait3A = arith.constant 0 : i32
      %dma_wait3A_58 = tpu.memref_slice %arg10[%add3A_54, %dma_wait3A] : memref<10240x128xf32, #tpu.memory_space<vmem_shared>> -> memref<128x128xf32, #tpu.memory_space<vmem_shared>>
      %dma_wait3A_59 = arith.constant 0 : i32
      %dma_wait3A_60 = tpu.memref_slice %arg10[%add3A_54, %dma_wait3A_59] : memref<10240x128xf32, #tpu.memory_space<vmem_shared>> -> memref<128x128xf32, #tpu.memory_space<vmem_shared>>
      tpu.wait_dma2 semaphore(%run_scoped3A : memref<!tpu.dma_semaphore, #tpu.memory_space<semaphore_mem>>) src(%dma_wait3A_60 : memref<128x128xf32, #tpu.memory_space<vmem_shared>>) dst(%arg8 : memref<128x128xf32, #tpu.memory_space<vmem>>)
      tpu.yield
    }) : () -> ()
    "tpu.region"() ({
      %run_scoped3A = tpu.sem_alloc : memref<!tpu.dma_semaphore, #tpu.memory_space<semaphore_mem>>
      %dma_start3A = arith.constant 0 : i32
      %dma_start3A_55 = tpu.memref_slice %arg5[%arg0, %add3A_54, %dma_start3A] : memref<2x10240x128xf32, #tpu.memory_space<hbm>> -> memref<1x128x128xf32, #tpu.memory_space<hbm>>
      %dma_start3A_56 = tpu.memref_squeeze %dma_start3A_55 : memref<1x128x128xf32, #tpu.memory_space<hbm>> -> memref<128x128xf32, #tpu.memory_space<hbm>>
      %dma_start3A_57 = arith.constant 0 : i32
      %dma_start3A_58 = tpu.memref_slice %arg5[%arg0, %add3A_54, %dma_start3A_57] : memref<2x10240x128xf32, #tpu.memory_space<hbm>> -> memref<1x128x128xf32, #tpu.memory_space<hbm>>
      %dma_start3A_59 = tpu.memref_squeeze %dma_start3A_58 : memref<1x128x128xf32, #tpu.memory_space<hbm>> -> memref<128x128xf32, #tpu.memory_space<hbm>>
      tpu.enqueue_dma source(%arg8 : memref<128x128xf32, #tpu.memory_space<vmem>>) target(%dma_start3A_59 : memref<128x128xf32, #tpu.memory_space<hbm>>) target_semaphore(%run_scoped3A : memref<!tpu.dma_semaphore, #tpu.memory_space<semaphore_mem>>)
      %dma_wait3A = arith.constant 0 : i32
      %dma_wait3A_60 = tpu.memref_slice %arg5[%arg0, %add3A_54, %dma_wait3A] : memref<2x10240x128xf32, #tpu.memory_space<hbm>> -> memref<1x128x128xf32, #tpu.memory_space<hbm>>
      %dma_wait3A_61 = tpu.memref_squeeze %dma_wait3A_60 : memref<1x128x128xf32, #tpu.memory_space<hbm>> -> memref<128x128xf32, #tpu.memory_space<hbm>>
      %dma_wait3A_62 = arith.constant 0 : i32
      %dma_wait3A_63 = tpu.memref_slice %arg5[%arg0, %add3A_54, %dma_wait3A_62] : memref<2x10240x128xf32, #tpu.memory_space<hbm>> -> memref<1x128x128xf32, #tpu.memory_space<hbm>>
      %dma_wait3A_64 = tpu.memref_squeeze %dma_wait3A_63 : memref<1x128x128xf32, #tpu.memory_space<hbm>> -> memref<128x128xf32, #tpu.memory_space<hbm>>
      tpu.wait_dma2 semaphore(%run_scoped3A : memref<!tpu.dma_semaphore, #tpu.memory_space<semaphore_mem>>) src(%arg8 : memref<128x128xf32, #tpu.memory_space<vmem>>) dst(%dma_wait3A_64 : memref<128x128xf32, #tpu.memory_space<hbm>>)
      tpu.yield
    }) : () -> ()
    return
  }
}

module attributes {stable_mosaic.version = 14 : i64} {
  func.func @_mm_body(%arg0: i32, %arg1: memref<512x128xf32, #tpu.memory_space<vmem>>, %arg2: memref<128x128xf32, #tpu.memory_space<vmem>>, %arg3: memref<2x512x1xf32, #tpu.memory_space<vmem>>, %arg4: memref<2x512x1xf32, #tpu.memory_space<vmem>>, %arg5: memref<512x128xf32, #tpu.memory_space<vmem>>, %arg6: memref<512x1xf32, #tpu.memory_space<vmem>>) attributes {dimension_semantics = [#tpu.dimension_semantics<arbitrary>], iteration_bounds = array<i64: 20>, scalar_prefetch = 0 : i64, scratch_operands = 0 : i64, tpu.core_type = #tpu.core_type<tc>, window_params = [{transform_indices = @transform_0, window_bounds = array<i64: 512, 128>}, {pipeline_mode = #tpu.pipeline_mode<synchronous>, transform_indices = @transform_1, window_bounds = array<i64: 128, 128>}, {transform_indices = @transform_2, window_bounds = array<i64: 2, 512, 1>}, {transform_indices = @transform_3, window_bounds = array<i64: 2, 512, 1>}, {transform_indices = @transform_4, window_bounds = array<i64: 512, 128>}, {transform_indices = @transform_5, window_bounds = array<i64: 512, 1>}]} {
    %get3A = arith.constant 0 : index
    %get3A_0 = arith.constant 0 : index
    %get3A_1 = arith.constant 0 : index
    %get3A_2 = vector.load %arg3[%get3A, %get3A_0, %get3A_1] : memref<2x512x1xf32, #tpu.memory_space<vmem>>, vector<1x512x1xf32>
    %get3A_3 = vector.shape_cast %get3A_2 : vector<1x512x1xf32> to vector<512x1xf32>
    %get3A_4 = arith.constant 1 : index
    %get3A_5 = arith.constant 0 : index
    %get3A_6 = arith.constant 0 : index
    %get3A_7 = vector.load %arg3[%get3A_4, %get3A_5, %get3A_6] : memref<2x512x1xf32, #tpu.memory_space<vmem>>, vector<1x512x1xf32>
    %get3A_8 = vector.shape_cast %get3A_7 : vector<1x512x1xf32> to vector<512x1xf32>
    %add3A = arith.addf %get3A_3, %get3A_8 : vector<512x1xf32>
    %add3A_9 = arith.constant 1.000000e+00 : f32
    %add3A_10 = vector.broadcast %add3A_9 : f32 to vector<512x1xf32>
    %add3A_11 = arith.addf %add3A, %add3A_10 : vector<512x1xf32>
    %get3A_12 = arith.constant 0 : index
    %get3A_13 = arith.constant 0 : index
    %get3A_14 = arith.constant 0 : index
    %get3A_15 = vector.load %arg4[%get3A_12, %get3A_13, %get3A_14] : memref<2x512x1xf32, #tpu.memory_space<vmem>>, vector<1x512x1xf32>
    %get3A_16 = vector.shape_cast %get3A_15 : vector<1x512x1xf32> to vector<512x1xf32>
    %get3A_17 = arith.constant 1 : index
    %get3A_18 = arith.constant 0 : index
    %get3A_19 = arith.constant 0 : index
    %get3A_20 = vector.load %arg4[%get3A_17, %get3A_18, %get3A_19] : memref<2x512x1xf32, #tpu.memory_space<vmem>>, vector<1x512x1xf32>
    %get3A_21 = vector.shape_cast %get3A_20 : vector<1x512x1xf32> to vector<512x1xf32>
    %add3A_22 = arith.addf %get3A_16, %get3A_21 : vector<512x1xf32>
    %add3A_23 = arith.constant 1.000000e+00 : f32
    %add3A_24 = vector.broadcast %add3A_23 : f32 to vector<512x1xf32>
    %add3A_25 = arith.addf %add3A_22, %add3A_24 : vector<512x1xf32>
    %rsqrt3A = math.rsqrt %add3A_11 : vector<512x1xf32>
    %rsqrt3A_26 = math.rsqrt %add3A_25 : vector<512x1xf32>
    %swap3A = arith.constant 0 : index
    %swap3A_27 = arith.constant 0 : index
    %swap3A_28 = vector.load %arg6[%swap3A, %swap3A_27] : memref<512x1xf32, #tpu.memory_space<vmem>>, vector<512x1xf32>
    tpu.vector_store %arg6[%swap3A, %swap3A_27], %rsqrt3A_26 {strides = array<i32>} : memref<512x1xf32, #tpu.memory_space<vmem>>, vector<512x1xf32>,
    %get3A_29 = arith.constant 0 : index
    %get3A_30 = arith.constant 0 : index
    %get3A_31 = vector.load %arg1[%get3A_29, %get3A_30] : memref<512x128xf32, #tpu.memory_space<vmem>>, vector<512x128xf32>
    %get3A_32 = arith.constant 0 : index
    %get3A_33 = arith.constant 0 : index
    %get3A_34 = vector.load %arg2[%get3A_32, %get3A_33] : memref<128x128xf32, #tpu.memory_space<vmem>>, vector<128x128xf32>
    %dot_general3A = arith.constant dense<0.000000e+00> : vector<512x128xf32>
    %dot_general3A_35 = tpu.matmul %get3A_31, %get3A_34, %dot_general3A {dimension_numbers = #tpu.dot_dimension_numbers<[1], [0], [0], [1], [0, 0, 1, 1], [], []>, transpose_lhs_hint = false} : vector<512x128xf32>, vector<128x128xf32>, vector<512x128xf32> -> vector<512x128xf32>
    %mul3A = vector.broadcast %rsqrt3A : vector<512x1xf32> to vector<512x128xf32>
    %mul3A_36 = arith.mulf %dot_general3A_35, %mul3A : vector<512x128xf32>
    %swap3A_37 = arith.constant 0 : index
    %swap3A_38 = arith.constant 0 : index
    %swap3A_39 = vector.load %arg5[%swap3A_37, %swap3A_38] : memref<512x128xf32, #tpu.memory_space<vmem>>, vector<512x128xf32>
    tpu.vector_store %arg5[%swap3A_37, %swap3A_38], %mul3A_36 {strides = array<i32>} : memref<512x128xf32, #tpu.memory_space<vmem>>, vector<512x128xf32>,
    return
  }
  func.func @transform_0(%arg0: i32) -> (i32, i32) {
    %c0_i32 = arith.constant 0 : i32
    %c0_i32_0 = arith.constant 0 : i32
    return %arg0, %c0_i32 : i32, i32
  }
  func.func @transform_1(%arg0: i32) -> (i32, i32) {
    %c0_i32 = arith.constant 0 : i32
    %c0_i32_0 = arith.constant 0 : i32
    %c0_i32_1 = arith.constant 0 : i32
    return %c0_i32, %c0_i32_0 : i32, i32
  }
  func.func @transform_2(%arg0: i32) -> (i32, i32, i32) {
    %c0_i32 = arith.constant 0 : i32
    %c0_i32_0 = arith.constant 0 : i32
    %c0_i32_1 = arith.constant 0 : i32
    return %c0_i32, %arg0, %c0_i32_0 : i32, i32, i32
  }
  func.func @transform_3(%arg0: i32) -> (i32, i32, i32) {
    %c0_i32 = arith.constant 0 : i32
    %c0_i32_0 = arith.constant 0 : i32
    %c0_i32_1 = arith.constant 0 : i32
    return %c0_i32, %arg0, %c0_i32_0 : i32, i32, i32
  }
  func.func @transform_4(%arg0: i32) -> (i32, i32) {
    %c0_i32 = arith.constant 0 : i32
    %c0_i32_0 = arith.constant 0 : i32
    return %arg0, %c0_i32 : i32, i32
  }
  func.func @transform_5(%arg0: i32) -> (i32, i32) {
    %c0_i32 = arith.constant 0 : i32
    %c0_i32_0 = arith.constant 0 : i32
    return %arg0, %c0_i32 : i32, i32
  }
}

module attributes {stable_mosaic.version = 14 : i64} {
  func.func @_head_body(%arg0: i32, %arg1: memref<2x1024x128xf32, #tpu.memory_space<vmem>>, %arg2: memref<1024x128xf32, #tpu.memory_space<vmem>>, %arg3: memref<1024x1xf32, #tpu.memory_space<vmem>>, %arg4: memref<1x128xf32, #tpu.memory_space<vmem>>, %arg5: memref<128x256xf32, #tpu.memory_space<vmem>>, %arg6: memref<1x256xf32, #tpu.memory_space<vmem>>, %arg7: memref<256x128xf32, #tpu.memory_space<vmem>>, %arg8: memref<1x128xf32, #tpu.memory_space<vmem>>, %arg9: memref<128x10xf32, #tpu.memory_space<vmem>>, %arg10: memref<1x10xf32, #tpu.memory_space<vmem>>, %arg11: memref<1x10xf32, #tpu.memory_space<vmem>>, %arg12: memref<1x128xf32, #tpu.memory_space<vmem>>) attributes {dimension_semantics = [#tpu.dimension_semantics<arbitrary>], iteration_bounds = array<i64: 10>, scalar_prefetch = 0 : i64, scratch_operands = 1 : i64, tpu.core_type = #tpu.core_type<tc>, window_params = [{transform_indices = @transform_0, window_bounds = array<i64: 2, 1024, 128>}, {transform_indices = @transform_1, window_bounds = array<i64: 1024, 128>}, {transform_indices = @transform_2, window_bounds = array<i64: 1024, 1>}, {pipeline_mode = #tpu.pipeline_mode<synchronous>, transform_indices = @transform_3, window_bounds = array<i64: 1, 128>}, {pipeline_mode = #tpu.pipeline_mode<synchronous>, transform_indices = @transform_4, window_bounds = array<i64: 128, 256>}, {pipeline_mode = #tpu.pipeline_mode<synchronous>, transform_indices = @transform_5, window_bounds = array<i64: 1, 256>}, {pipeline_mode = #tpu.pipeline_mode<synchronous>, transform_indices = @transform_6, window_bounds = array<i64: 256, 128>}, {pipeline_mode = #tpu.pipeline_mode<synchronous>, transform_indices = @transform_7, window_bounds = array<i64: 1, 128>}, {pipeline_mode = #tpu.pipeline_mode<synchronous>, transform_indices = @transform_8, window_bounds = array<i64: 128, 10>}, {pipeline_mode = #tpu.pipeline_mode<synchronous>, transform_indices = @transform_9, window_bounds = array<i64: 1, 10>}, {pipeline_mode = #tpu.pipeline_mode<synchronous>, transform_indices = @transform_10, window_bounds = array<i64: 1, 10>}]} {
    %get3A = arith.constant 0 : index
    %get3A_0 = arith.constant 0 : index
    %get3A_1 = arith.constant 0 : index
    %get3A_2 = vector.load %arg1[%get3A, %get3A_0, %get3A_1] : memref<2x1024x128xf32, #tpu.memory_space<vmem>>, vector<1x1024x128xf32>
    %get3A_3 = vector.shape_cast %get3A_2 : vector<1x1024x128xf32> to vector<1024x128xf32>
    %get3A_4 = arith.constant 1 : index
    %get3A_5 = arith.constant 0 : index
    %get3A_6 = arith.constant 0 : index
    %get3A_7 = vector.load %arg1[%get3A_4, %get3A_5, %get3A_6] : memref<2x1024x128xf32, #tpu.memory_space<vmem>>, vector<1x1024x128xf32>
    %get3A_8 = vector.shape_cast %get3A_7 : vector<1x1024x128xf32> to vector<1024x128xf32>
    %add3A = arith.addf %get3A_3, %get3A_8 : vector<1024x128xf32>
    %get3A_9 = arith.constant 0 : index
    %get3A_10 = arith.constant 0 : index
    %get3A_11 = vector.load %arg2[%get3A_9, %get3A_10] : memref<1024x128xf32, #tpu.memory_space<vmem>>, vector<1024x128xf32>
    %add3A_12 = arith.addf %add3A, %get3A_11 : vector<1024x128xf32>
    %get3A_13 = arith.constant 0 : index
    %get3A_14 = arith.constant 0 : index
    %get3A_15 = vector.load %arg3[%get3A_13, %get3A_14] : memref<1024x1xf32, #tpu.memory_space<vmem>>, vector<1024x1xf32>
    %mul3A = vector.broadcast %get3A_15 : vector<1024x1xf32> to vector<1024x128xf32>
    %mul3A_16 = arith.mulf %add3A_12, %mul3A : vector<1024x128xf32>
    %get3A_17 = arith.constant 0 : index
    %get3A_18 = arith.constant 0 : index
    %get3A_19 = vector.load %arg4[%get3A_17, %get3A_18] : memref<1x128xf32, #tpu.memory_space<vmem>>, vector<1x128xf32>
    %add3A_20 = vector.broadcast %get3A_19 : vector<1x128xf32> to vector<1024x128xf32>
    %add3A_21 = arith.addf %mul3A_16, %add3A_20 : vector<1024x128xf32>
    %max3A = arith.constant 0.000000e+00 : f32
    %max3A_22 = vector.broadcast %max3A : f32 to vector<1024x128xf32>
    %max3A_23 = arith.maximumf %add3A_21, %max3A_22 : vector<1024x128xf32>
    %iota3A = tpu.iota {dimensions = array<i32: 0>} : vector<1024x1xi32>
    %mul3A_24 = arith.constant 1024 : i32
    %mul3A_25 = arith.muli %arg0, %mul3A_24 : i32
    %add3A_26 = vector.broadcast %mul3A_25 : i32 to vector<1024x1xi32>
    %add3A_27 = arith.addi %iota3A, %add3A_26 : vector<1024x1xi32>
    %lt3A = arith.constant 10000 : i32
    %lt3A_28 = vector.broadcast %lt3A : i32 to vector<1024x1xi32>
    %lt3A_29 = arith.cmpi slt, %add3A_27, %lt3A_28 : vector<1024x1xi32>
    %jit3A = arith.constant 0.000000e+00 : f32
    %broadcast_in_dim3A = vector.shape_cast %lt3A_29 : vector<1024x1xi1> to vector<1024x1xi1>
    %broadcast_in_dim3A_30 = vector.broadcast %broadcast_in_dim3A : vector<1024x1xi1> to vector<1024x128xi1>
    %broadcast_in_dim3A_31 = vector.broadcast %jit3A : f32 to vector<1024x128xf32>
    %select_n3A = arith.select %broadcast_in_dim3A_30, %max3A_23, %broadcast_in_dim3A_31 : vector<1024x128xi1>, vector<1024x128xf32>
    %reduce_max3A = arith.constant dense<0xFF800000> : vector<128xf32>
    %reduce_max3A_32 = vector.multi_reduction <maximumf>, %select_n3A, %reduce_max3A [0] : vector<1024x128xf32> to vector<128xf32>
    %broadcast_in_dim3A_33 = vector.shape_cast %reduce_max3A_32 : vector<128xf32> to vector<1x128xf32>
    %eq3A = arith.constant 0 : i32
    %eq3A_34 = arith.cmpi eq, %arg0, %eq3A : i32
    %convert_element_type3A = arith.extui %eq3A_34 : i1 to i32
    %cond3A = arith.constant 0 : i32
    %cond3A_35 = arith.cmpi ne, %convert_element_type3A, %cond3A : i32
    scf.if %cond3A_35 {
      %swap3A = arith.constant 0 : index
      %swap3A_45 = arith.constant 0 : index
      %swap3A_46 = vector.load %arg12[%swap3A, %swap3A_45] : memref<1x128xf32, #tpu.memory_space<vmem>>, vector<1x128xf32>
      tpu.vector_store %arg12[%swap3A, %swap3A_45], %broadcast_in_dim3A_33 {strides = array<i32>} : memref<1x128xf32, #tpu.memory_space<vmem>>, vector<1x128xf32>,
    } else {
    }
    %gt3A = arith.constant 0 : i32
    %gt3A_36 = arith.cmpi sgt, %arg0, %gt3A : i32
    %convert_element_type3A_37 = arith.extui %gt3A_36 : i1 to i32
    %cond3A_38 = arith.constant 0 : i32
    %cond3A_39 = arith.cmpi ne, %convert_element_type3A_37, %cond3A_38 : i32
    scf.if %cond3A_39 {
      %get3A_45 = arith.constant 0 : index
      %get3A_46 = arith.constant 0 : index
      %get3A_47 = vector.load %arg12[%get3A_45, %get3A_46] : memref<1x128xf32, #tpu.memory_space<vmem>>, vector<1x128xf32>
      %max3A_48 = arith.maximumf %get3A_47, %broadcast_in_dim3A_33 : vector<1x128xf32>
      %swap3A = arith.constant 0 : index
      %swap3A_49 = arith.constant 0 : index
      %swap3A_50 = vector.load %arg12[%swap3A, %swap3A_49] : memref<1x128xf32, #tpu.memory_space<vmem>>, vector<1x128xf32>
      tpu.vector_store %arg12[%swap3A, %swap3A_49], %max3A_48 {strides = array<i32>} : memref<1x128xf32, #tpu.memory_space<vmem>>, vector<1x128xf32>,
    } else {
    }
    %eq3A_40 = arith.constant 9 : i32
    %eq3A_41 = arith.cmpi eq, %arg0, %eq3A_40 : i32
    %convert_element_type3A_42 = arith.extui %eq3A_41 : i1 to i32
    %cond3A_43 = arith.constant 0 : i32
    %cond3A_44 = arith.cmpi ne, %convert_element_type3A_42, %cond3A_43 : i32
    scf.if %cond3A_44 {
      %get3A_45 = arith.constant 0 : index
      %get3A_46 = arith.constant 0 : index
      %get3A_47 = vector.load %arg12[%get3A_45, %get3A_46] : memref<1x128xf32, #tpu.memory_space<vmem>>, vector<1x128xf32>
      %get3A_48 = arith.constant 0 : index
      %get3A_49 = arith.constant 0 : index
      %get3A_50 = vector.load %arg5[%get3A_48, %get3A_49] : memref<128x256xf32, #tpu.memory_space<vmem>>, vector<128x256xf32>
      %dot_general3A = arith.constant dense<0.000000e+00> : vector<1x256xf32>
      %dot_general3A_51 = tpu.matmul %get3A_47, %get3A_50, %dot_general3A {dimension_numbers = #tpu.dot_dimension_numbers<[1], [0], [0], [1], [0, 0, 1, 1], [], []>, transpose_lhs_hint = false} : vector<1x128xf32>, vector<128x256xf32>, vector<1x256xf32> -> vector<1x256xf32>
      %get3A_52 = arith.constant 0 : index
      %get3A_53 = arith.constant 0 : index
      %get3A_54 = vector.load %arg6[%get3A_52, %get3A_53] : memref<1x256xf32, #tpu.memory_space<vmem>>, vector<1x256xf32>
      %add3A_55 = arith.addf %dot_general3A_51, %get3A_54 : vector<1x256xf32>
      %max3A_56 = arith.constant 0.000000e+00 : f32
      %max3A_57 = vector.broadcast %max3A_56 : f32 to vector<1x256xf32>
      %max3A_58 = arith.maximumf %add3A_55, %max3A_57 : vector<1x256xf32>
      %get3A_59 = arith.constant 0 : index
      %get3A_60 = arith.constant 0 : index
      %get3A_61 = vector.load %arg7[%get3A_59, %get3A_60] : memref<256x128xf32, #tpu.memory_space<vmem>>, vector<256x128xf32>
      %dot_general3A_62 = arith.constant dense<0.000000e+00> : vector<1x128xf32>
      %dot_general3A_63 = tpu.matmul %max3A_58, %get3A_61, %dot_general3A_62 {dimension_numbers = #tpu.dot_dimension_numbers<[1], [0], [0], [1], [0, 0, 1, 1], [], []>, transpose_lhs_hint = false} : vector<1x256xf32>, vector<256x128xf32>, vector<1x128xf32> -> vector<1x128xf32>
      %get3A_64 = arith.constant 0 : index
      %get3A_65 = arith.constant 0 : index
      %get3A_66 = vector.load %arg8[%get3A_64, %get3A_65] : memref<1x128xf32, #tpu.memory_space<vmem>>, vector<1x128xf32>
      %add3A_67 = arith.addf %dot_general3A_63, %get3A_66 : vector<1x128xf32>
      %max3A_68 = arith.constant 0.000000e+00 : f32
      %max3A_69 = vector.broadcast %max3A_68 : f32 to vector<1x128xf32>
      %max3A_70 = arith.maximumf %add3A_67, %max3A_69 : vector<1x128xf32>
      %get3A_71 = arith.constant 0 : index
      %get3A_72 = arith.constant 0 : index
      %get3A_73 = vector.load %arg9[%get3A_71, %get3A_72] : memref<128x10xf32, #tpu.memory_space<vmem>>, vector<128x10xf32>
      %dot_general3A_74 = arith.constant dense<0.000000e+00> : vector<1x10xf32>
      %dot_general3A_75 = tpu.matmul %max3A_70, %get3A_73, %dot_general3A_74 {dimension_numbers = #tpu.dot_dimension_numbers<[1], [0], [0], [1], [0, 0, 1, 1], [], []>, transpose_lhs_hint = false} : vector<1x128xf32>, vector<128x10xf32>, vector<1x10xf32> -> vector<1x10xf32>
      %get3A_76 = arith.constant 0 : index
      %get3A_77 = arith.constant 0 : index
      %get3A_78 = vector.load %arg10[%get3A_76, %get3A_77] : memref<1x10xf32, #tpu.memory_space<vmem>>, vector<1x10xf32>
      %add3A_79 = arith.addf %dot_general3A_75, %get3A_78 : vector<1x10xf32>
      %swap3A = arith.constant 0 : index
      %swap3A_80 = arith.constant 0 : index
      %swap3A_81 = vector.load %arg11[%swap3A, %swap3A_80] : memref<1x10xf32, #tpu.memory_space<vmem>>, vector<1x10xf32>
      tpu.vector_store %arg11[%swap3A, %swap3A_80], %add3A_79 {strides = array<i32>} : memref<1x10xf32, #tpu.memory_space<vmem>>, vector<1x10xf32>,
    } else {
    }
    return
  }
  func.func @transform_0(%arg0: i32) -> (i32, i32, i32) {
    %c0_i32 = arith.constant 0 : i32
    %c0_i32_0 = arith.constant 0 : i32
    %c0_i32_1 = arith.constant 0 : i32
    return %c0_i32, %arg0, %c0_i32_0 : i32, i32, i32
  }
  func.func @transform_1(%arg0: i32) -> (i32, i32) {
    %c0_i32 = arith.constant 0 : i32
    %c0_i32_0 = arith.constant 0 : i32
    return %arg0, %c0_i32 : i32, i32
  }
  func.func @transform_2(%arg0: i32) -> (i32, i32) {
    %c0_i32 = arith.constant 0 : i32
    %c0_i32_0 = arith.constant 0 : i32
    return %arg0, %c0_i32 : i32, i32
  }
  func.func @transform_3(%arg0: i32) -> (i32, i32) {
    %c0_i32 = arith.constant 0 : i32
    %c0_i32_0 = arith.constant 0 : i32
    %c0_i32_1 = arith.constant 0 : i32
    return %c0_i32, %c0_i32_0 : i32, i32
  }
  func.func @transform_4(%arg0: i32) -> (i32, i32) {
    %c0_i32 = arith.constant 0 : i32
    %c0_i32_0 = arith.constant 0 : i32
    %c0_i32_1 = arith.constant 0 : i32
    return %c0_i32, %c0_i32_0 : i32, i32
  }
  func.func @transform_5(%arg0: i32) -> (i32, i32) {
    %c0_i32 = arith.constant 0 : i32
    %c0_i32_0 = arith.constant 0 : i32
    %c0_i32_1 = arith.constant 0 : i32
    return %c0_i32, %c0_i32_0 : i32, i32
  }
  func.func @transform_6(%arg0: i32) -> (i32, i32) {
    %c0_i32 = arith.constant 0 : i32
    %c0_i32_0 = arith.constant 0 : i32
    %c0_i32_1 = arith.constant 0 : i32
    return %c0_i32, %c0_i32_0 : i32, i32
  }
  func.func @transform_7(%arg0: i32) -> (i32, i32) {
    %c0_i32 = arith.constant 0 : i32
    %c0_i32_0 = arith.constant 0 : i32
    %c0_i32_1 = arith.constant 0 : i32
    return %c0_i32, %c0_i32_0 : i32, i32
  }
  func.func @transform_8(%arg0: i32) -> (i32, i32) {
    %c0_i32 = arith.constant 0 : i32
    %c0_i32_0 = arith.constant 0 : i32
    %c0_i32_1 = arith.constant 0 : i32
    return %c0_i32, %c0_i32_0 : i32, i32
  }
  func.func @transform_9(%arg0: i32) -> (i32, i32) {
    %c0_i32 = arith.constant 0 : i32
    %c0_i32_0 = arith.constant 0 : i32
    %c0_i32_1 = arith.constant 0 : i32
    return %c0_i32, %c0_i32_0 : i32, i32
  }
  func.func @transform_10(%arg0: i32) -> (i32, i32) {
    %c0_i32 = arith.constant 0 : i32
    %c0_i32_0 = arith.constant 0 : i32
    %c0_i32_1 = arith.constant 0 : i32
    return %c0_i32, %c0_i32_0 : i32, i32
  }
}

</mosaic_0001>

<sc_bundles>
// kernel: kernel.6.cloned.1.call-start
scs
__scs_entry_jumppad:
0x0: {  	(pc) =	sbr.rel $0x88, $3  }
0x1: {  	(tag) =	ssettag $0x0;
	lr =	simm.s32 $0x1  }
0x2: {  	[smem:$0x3F97] =	sst lr;
	_ =	strace $0xD0000000  }
0x3: {  	_ = 	snop  }
0x4: {  	_ = 	snop  }
0x5: {  	_ = 	snop  }
0x6: {  	_ = 	snop  }
0x7: {  	_ = 	snop  }
__scs_overlays_trampoline_lowered:
0x8: {  	[smem:$0x3FA6] =	sst s0  }
0x9: {  	[smem:$0x3FA7] =	sst s1  }
0xa: {  	[smem:$0x3FA8] =	sst s2  }
0xb: {  	[smem:$0x3FA9] =	sst s3  }
0xc: {  	[smem:$0x3FAA] =	sst s4  }
0xd: {  	[smem:$0x3FAB] =	sst s5  }
0xe: {  	[smem:$0x3FAC] =	sst s6  }
0xf: {  	[smem:$0x3FAD] =	sst s7  }
0x10: {  	[smem:$0x3FAE] =	sst s8  }
0x11: {  	[smem:$0x3FAF] =	sst s9;
	s0 =	simm.s32 @!p0 $0x0  }
0x12: {  	s1 =	sld [smem:$0x3F95];
	s0 =	simm.s32 @p0 $0x1  }
0x13: {  	[smem:$0x3FB0] =	sst s0;
	s0 =	simm.s32 @!p1 $0x0  }
0x14: {  	s2 =	sld [smem:$0x3F94];
	s0 =	simm.s32 @p1 $0x1  }
0x15: {  	[smem:$0x3FB1] =	sst s0;
	s0 =	simm.s32 @!p2 $0x0  }
0x16: {  	s3 =	sld [smem:$0x3FDB];
	s0 =	simm.s32 @p2 $0x1  }
0x17: {  	s4 =	simm.s32 $0x1BF5;
	[smem:$0x3FB3] =	sst s0  }
0x18: {  	s0 =	sld [smem:$0x3F96];
	_ =	swait.ge [sflag:s4], $0x0  }
0x19: {  	s7 =	sld [smem:$0x3F97]  }
0x1a: {  	s8 =	sadd.s32 $0xFFFFE003, lr  }
0x1b: {  	s9 =	sadd.s32 $0xFFFFFEF7, lr;
	s5 =	simm.s32 $0xFFFFFFFF;
	p2 =	slt.u32 s8, $0xFFFFF086  }
0x1c: {  	p1 =	slt.u32 s9, $0xF7A;
	s5 =	simm.s32 @!p2 $0x0  }
0x1d: {  	s5 =	simm.s32 @p1 $0x1;
	p0 =	seq.s32 s7, s2  }
0x1e: {  	s7 =	smul.u32 @!p0 $0xF7A, s2;
	p2 =	seq.s32 @!p0 s5, $0x0  }
0x1f: {  	s9 =	smul.u32 $0xF7A, s1;
	s8 =	simm.s32 @!p0 $0x1BF5;
	p2 =	por !p2, p0  }
0x20: {  	[sflag:s8] =	ssyncset.s32 @!p0 $0xFFFFF086;
	s6 =	sadd.s32 @!p0 s3, s7;
	s7 =	simm.s32 @!p0 $0x108  }
0x21: {  	s3 =	sadd.s32 s3, s9;
	s6 =	sadd.s32 @!p0 $0x88, s6;
	s7 =	simm.s32 @p2 $0x1082  }
0x22: {  	[simem:s7], [sflag:s8] =	dma.local @!p0 [hbm:s6], $0xF7A  }
0x23: {  	s9 =	sor.u32 $0xD0000000, s2;
	s6 =	simm.s32 $0x108;
	_ =	swait.ge @!p0 [sflag:s8], $0x0  }
0x24: {  	s3 =	sadd.s32 $0x88, s3;
	s6 =	simm.s32 @!p1 $0x1082;
	[sflag:s4] =	ssyncset.s32 $0xFFFFF086  }
0x25: {  	[simem:s6], [sflag:s4] =	dma.local [hbm:s3], $0xF7A  }
0x26: {  	[smem:$0x3F97] =	sst s1;
	(tag) =	ssettag s2;
	_ =	strace s9  }
0x27: {  	s1 =	sld [smem:$0x3FA7]  }
0x28: {  	s2 =	sld [smem:$0x3FA8]  }
0x29: {  	s4 =	sld [smem:$0x3FAA]  }
0x2a: {  	p0 =	seq.s32 s5, $0x0;
	s5 =	sld [smem:$0x3FAB]  }
0x2b: {  	s6 =	sld [smem:$0x3FAC]  }
0x2c: {  	s7 =	sld [smem:$0x3FAD]  }
0x2d: {  	s3 =	simm.s32 $0x108;
	s8 =	sld [smem:$0x3FAE]  }
0x2e: {  	s3 =	simm.s32 @!p0 $0x1082;
	s9 =	sld [smem:$0x3FAF]  }
0x2f: {  	lr =	sadd.s32 s0, s3;
	s0 =	sld [smem:$0x3FA6]  }
0x30: {  	s3 =	sld [smem:$0x3FA9]  }
0x31: {  	[smem:$0x3FB2] =	sst s10  }
0x32: {  	s10 =	sld [smem:$0x3FB0];
	_ =	sdelay $0x3  }
0x33: {  	p0 =	seq.s32 s10, $0x1;
	s10 =	sld [smem:$0x3FB2];
	_ =	sdelay $0x3  }
0x34: {  	[smem:$0x3FB2] =	sst s10  }
0x35: {  	s10 =	sld [smem:$0x3FB1];
	_ =	sdelay $0x3  }
0x36: {  	p1 =	seq.s32 s10, $0x1;
	s10 =	sld [smem:$0x3FB2];
	_ =	sdelay $0x3  }
0x37: {  	[smem:$0x3FB2] =	sst s10  }
0x38: {  	s10 =	sld [smem:$0x3FB3]  }
0x39: {  	_ = 	snop;
	(pc) =	sbr.ind lr, $3  }
0x3a: {  	_ = 	snop  }
0x3b: {  	_ = 	snop  }
0x3c: {  	p2 =	seq.s32 s10, $0x1;
	s10 =	sld [smem:$0x3FB2]  }
0x3d: {  	_ =	shalt  }
0x3e: {  	_ =	shalt  }
0x3f: {  	_ =	shalt  }
0x40: {  	_ =	shalt  }
0x41: {  	_ =	shalt  }
0x42: {  	_ =	shalt  }
0x43: {  	_ =	shalt  }
0x44: {  	_ =	shalt  }
0x45: {  	_ =	shalt  }
0x46: {  	_ =	shalt  }
0x47: {  	_ =	shalt  }
0x48: {  	_ =	shalt  }
0x49: {  	_ =	shalt  }
0x4a: {  	_ =	shalt  }
0x4b: {  	_ =	shalt  }
0x4c: {  	_ =	shalt  }
0x4d: {  	_ =	shalt  }
0x4e: {  	_ =	shalt  }
0x4f: {  	_ =	shalt  }
0x50: {  	_ =	shalt  }
0x51: {  	_ =	shalt  }
0x52: {  	_ =	shalt  }
0x53: {  	_ =	shalt  }
0x54: {  	_ =	shalt  }
0x55: {  	_ =	shalt  }
0x56: {  	_ =	shalt  }
0x57: {  	_ =	shalt  }
0x58: {  	_ =	shalt  }
0x59: {  	_ =	shalt  }
0x5a: {  	_ =	shalt  }
0x5b: {  	_ =	shalt  }
0x5c: {  	_ =	shalt  }
0x5d: {  	_ =	shalt  }
0x5e: {  	_ =	shalt  }
0x5f: {  	_ =	shalt  }
0x60: {  	_ =	shalt  }
0x61: {  	_ =	shalt  }
0x62: {  	_ =	shalt  }
0x63: {  	_ =	shalt  }
0x64: {  	_ =	shalt  }
0x65: {  	_ =	shalt  }
0x66: {  	_ =	shalt  }
0x67: {  	_ =	shalt  }
0x68: {  	_ =	shalt  }
0x69: {  	_ =	shalt  }
0x6a: {  	_ =	shalt  }
0x6b: {  	_ =	shalt  }
0x6c: {  	_ =	shalt  }
0x6d: {  	_ =	shalt  }
0x6e: {  	_ =	shalt  }
0x6f: {  	_ =	shalt  }
0x70: {  	_ =	shalt  }
0x71: {  	_ =	shalt  }
0x72: {  	_ =	shalt  }
0x73: {  	_ =	shalt  }
0x74: {  	_ =	shalt  }
0x75: {  	_ =	shalt  }
0x76: {  	_ =	shalt  }
0x77: {  	_ =	shalt  }
0x78: {  	_ =	shalt  }
0x79: {  	_ =	shalt  }
0x7a: {  	_ =	shalt  }
0x7b: {  	_ =	shalt  }
0x7c: {  	_ =	shalt  }
0x7d: {  	_ =	shalt  }
0x7e: {  	_ =	shalt  }
0x7f: {  	_ =	shalt  }
0x80: {  	_ =	shalt  }
0x81: {  	_ =	shalt  }
0x82: {  	_ =	shalt  }
0x83: {  	_ =	shalt  }
0x84: {  	_ =	shalt  }
0x85: {  	_ =	shalt  }
0x86: {  	_ =	shalt  }
0x87: {  	_ =	shalt  }
.Lfunc_end0:
.L_simem_size_0:
called_computation_lowered:
.L_overlay_start_0:
0x88: {  	s2 =	sld [smem:$0x3FD9]  }
0x89: {  	s3 =	sld [smem:$0x3FFE];
	_ =	sdelay $0x1  }
0x8a: {  	s1 =	srdreg.scid  }
0x8b: {  	s0 =	sand.u32 $0x1, s1  }
0x8c: {  	s16 =	sshll.u32 s0, $0xA;
	s2 =	sadd.s32 s3, s2  }
0x8d: {  	s2 =	sadd.s32 s2, s16  }
0x8e: {  	[smem:$0x3FBE] =	sst s2  }
0x8f: {  	_ = 	snop  }
0x90: {  	(tm) =	ssettm $0x1  }
0x91: {  	s17 =	sld [smem:$0x3FFB];
	_ =	sdelay $0x3  }
0x92: {  	_ =	strace s17  }
0x93: {  	s2 =	sld [smem:$0x3FFC];
	_ =	sdelay $0x3  }
0x94: {  	_ =	strace s2  }
0x95: {  	s2 =	sld [smem:$0x3FFD];
	_ =	sdelay $0x3  }
0x96: {  	_ =	strace s2  }
0x97: {  	_ =	strace $0x8FFFFFFF  }
0x98: {  	s18 =	sld [smem:$0x3FDB];
	_ =	sdelay $0x1  }
0x99: {  	s19 =	simm.s32 $_scs_section_size  }
0x9a: {  	s4 =	simm.s32 $_size__tile_overlayer_lowered;
	s5 =	simm.s32 $_tile_overlayer_lowered  }
0x9b: {  	s22 =	simm.s32 $0x1BFF;
	s21 =	sshll.u32 s5, $0x1;
	s2 =	sadd.s32 s19, s18  }
0x9c: {  	s6 =	simm.s32 $0x0;
	s20 =	sshll.u32 s4, $0x1;
	s4 =	sadd.s32 s21, s2  }
0x9d: {  	[timem:s6], [sflag:s22] =	dma.local [hbm:s4], s20  }
0x9e: {  	_ =	swait.ge [sflag:s22], s20  }
0x9f: {  	s3 =	ssub.s32 $0x0, s20;
	[sflag:s22] =	ssyncset.done $0x0  }
0xa0: {  	[sflag:s22] =	ssyncadd.s32 s3;
	_ =	sdelay $0x1  }
0xa1: {  	s23 =	simm.s32 $0x1B8B  }
0xa2: {  	_ =	swait.ge [sflag:s23], $0x1  }
0xa3: {  	[sflag:s23] =	ssyncset.done $0x0  }
0xa4: {  	s25 =	simm.s32 $0x1B8E;
	s24 =	sld [smem:$0x3FFE];
	[sflag:s23] =	ssyncadd.s32 $0xFFFFFFFF  }
0xa5: {  	s26 =	simm.s32 $execute0_lowered;
	[smem:$0x3FD2] =	sst s25  }
0xa6: {  	s4 =	sshll.u32 s26, $0x1;
	_ =	strace $0x80000046;
	[dreg:$0x1] =	wrdreg $0xFFFFFFFF  }
0xa7: {  	s28 =	simm.s32 $_size_execute0_lowered;
	s2 =	sadd.s32 s2, s4;
	[dreg:$0x0] =	wrdreg $0x0  }
0xa8: {  	s4 =	sshll.u32 s28, $0x1;
	[dreg:$0x2] =	wrdreg s2  }
0xa9: {  	[dreg:$0x3] =	wrdreg s4  }
0xaa: {  	[dreg:$0x4] =	wrdreg $0xC0  }
0xab: {  	_ =	task [dreg:s6], $0x5FFFF  }
0xac: {  	[dreg:$0x1] =	wrdreg $0xFFFFFFFF  }
0xad: {  	[dreg:$0x0] =	wrdreg $0x60  }
0xae: {  	[dreg:$0x2] =	wrdreg s24  }
0xaf: {  	[dreg:$0x3] =	wrdreg $0x3800  }
0xb0: {  	[dreg:$0x4] =	wrdreg $0x6000  }
0xb1: {  	[dreg:$0x5] =	wrdreg $0x9  }
0xb2: {  	_ =	task.clear_ibuf [dreg:s6], $0x6FFFF;
	_ =	strace $0x90000046  }
0xb3: {  	s29 =	simm.s32 $0x9;
	_ =	strace $0x80000048  }
0xb4: {  	_ =	swait.ge [sflag:s29], $0x1  }
0xb5: {  	[sflag:s29] =	ssyncadd.s32 $0xFFFFFFFF  }
0xb6: {  	_ =	strace $0x90000048  }
0xb7: {  	_ =	sfence  }
0xb8: {  	s30 =	sld [smem:$0x0];
	_ =	sdelay $0x2  }
0xb9: {  	s31 =	sshll.u32 s1, $0xD;
	s1 =	sshrl.u32 s1, $0x2  }
0xba: {  	s3 =	sand.u32 $0x4000, s31;
	s1 =	sadd.s32 s1, s30  }
0xbb: {  	s0 =	sor.u32 s3, s0;
	s1 =	sshll.u32 s1, $0x11  }
0xbc: {  	s0 =	sor.u32 s1, s0  }
0xbd: {  	s0 =	sadd.s32 $0x8F2B, s0  }
0xbe: {  	[sflag:s0] =	ssyncadd.remote.s32 $0x1  }
0xbf: {  	_ =	sfence.sel $0xFFFF  }
0xc0: {  	[dreg:$0x0] =	wrdreg $0xFFFFFFFF;
	(pc) =	sbr.abs _section_cstart, $3  }
0xc1: {  	[dreg:$0x1] =	wrdreg $0xFFFFFFFF  }
0xc2: {  	_ =	task.clear_ibuf [dreg:s6], $0x2FFFF;
	_ =	strace $0x9FFFFFFF  }
0xc3: {  	(tm) =	ssettm $0x7FFFFFFF  }
tec
execute0_lowered:
.L_overlay_start_1:
0x0: {  	(tag) =	ssettag $0x1  }
0x1: {  	s5 =	rddreg [dreg:$0x0]  }
0x2: {  	s2 =	rddreg [dreg:$0x1]  }
0x3: {  	s3 =	rddreg [dreg:$0x2]  }
0x4: {  	s0 =	rddreg [dreg:$0x3]  }
0x5: {  	s1 =	stileid.u32;
	s4 =	simm.s32 $0x0;
	s7 =	srdreg.scid  }
0x6: {  	s14 =	simm.s32 $0x80;
	s15 =	simm.s32 $0x0;
	s6 =	smul.u32 $0x9E0, s1  }
0x7: {  	[smem:$0x7FF] =	sst s4;
	s7 =	sand.u32 $0x1, s7;
	s8 =	smul.u32 $0x500, s1  }
0x8: {  	s11 =	smul.u32 $0x280, s1;
	_ =	strace $0x80000047;
	s9 =	sshll.u32 s7, $0x7  }
0x9: {  	s29 =	ssub.s32 $0x2, s7;
	s13 =	smul.u32 $0x4F0, s7;
	s28 =	sor.u32 s9, s8  }
0xa: {  	s10 =	sadd.s32 s6, s5;
	s30 =	sshrl.u32 s29, $0x1;
	s6 =	sshrl.u32 s28, $0x3  }
0xb: {  	s9 =	ssub.s32 s29, s30;
	s31 =	sadd.s32 s13, s10;
	s13 =	simm.s32 $0x1  }
0xc: {  	s12 =	sadd.s32 s6, s5;
	s5 =	sadd.s32 s11, s2;
	s6 =	sadd.s32 s11, s3  }
0xd: {  	s9 =	smax.u32 s9, $0x1;
	s10 =	sadd.s32 $0x2E00, s31;
	s11 =	sadd.s32 $0xCC00, s31  }
0xe: {  	v0 =	vimm.f32 $1.000000000e+00;
	v1 =	vimm.f32 $0.0e+00;
	s7 =	sadd.s32 $0x16A00, s12;
	s8 =	sadd.s32 $0x17400, s12;
	s12 =	simm.s32 $0x100  }
.LBB2_1:
0xf: {  	[tilespmem:$0x80] =	vst v0  }
0x10: {  	[tilespmem:$0x90] =	vst v0  }
0x11: {  	[tilespmem:$0xA0] =	vst v0  }
0x12: {  	[tilespmem:$0xB0] =	vst v0  }
0x13: {  	[tilespmem:$0xC0] =	vst v0  }
0x14: {  	[tilespmem:$0xD0] =	vst v0  }
0x15: {  	[tilespmem:$0xE0] =	vst v0  }
0x16: {  	[tilespmem:$0xF0] =	vst v0  }
0x17: {  	[tilespmem:$0x100] =	vst v1  }
0x18: {  	[tilespmem:$0x110] =	vst v1  }
0x19: {  	[tilespmem:$0x120] =	vst v1  }
0x1a: {  	[tilespmem:$0x130] =	vst v1  }
0x1b: {  	[tilespmem:$0x140] =	vst v1  }
0x1c: {  	[tilespmem:$0x150] =	vst v1  }
0x1d: {  	[tilespmem:$0x160] =	vst v1  }
0x1e: {  	[tilespmem:$0x170] =	vst v1  }
0x1f: {  	[tilespmem:$0x180] =	vst v1  }
0x20: {  	[tilespmem:$0x190] =	vst v1  }
0x21: {  	[tilespmem:$0x1A0] =	vst v1  }
0x22: {  	[tilespmem:$0x1B0] =	vst v1  }
0x23: {  	[tilespmem:$0x1C0] =	vst v1  }
0x24: {  	[tilespmem:$0x1D0] =	vst v1  }
0x25: {  	[tilespmem:$0x1E0] =	vst v1  }
0x26: {  	[tilespmem:$0x1F0] =	vst v1  }
0x27: {  	[tilespmem:$0x200] =	vst v1  }
0x28: {  	[tilespmem:$0x210] =	vst v1  }
0x29: {  	[tilespmem:$0x220] =	vst v1  }
0x2a: {  	[tilespmem:$0x230] =	vst v1  }
0x2b: {  	[tilespmem:$0x240] =	vst v1  }
0x2c: {  	[tilespmem:$0x250] =	vst v1  }
0x2d: {  	[tilespmem:$0x260] =	vst v1  }
0x2e: {  	[tilespmem:$0x270] =	vst v1  }
0x2f: {  	[tilespmem:$0x280] =	vst v1  }
0x30: {  	[tilespmem:$0x290] =	vst v1  }
0x31: {  	[tilespmem:$0x2A0] =	vst v1  }
0x32: {  	[tilespmem:$0x2B0] =	vst v1  }
0x33: {  	[tilespmem:$0x2C0] =	vst v1  }
0x34: {  	[tilespmem:$0x2D0] =	vst v1  }
0x35: {  	[tilespmem:$0x2E0] =	vst v1  }
0x36: {  	[tilespmem:$0x2F0] =	vst v1  }
0x37: {  	[tilespmem:$0x300] =	vst v1  }
0x38: {  	[tilespmem:$0x310] =	vst v1  }
0x39: {  	[tilespmem:$0x320] =	vst v1  }
0x3a: {  	[tilespmem:$0x330] =	vst v1  }
0x3b: {  	[tilespmem:$0x340] =	vst v1  }
0x3c: {  	[tilespmem:$0x350] =	vst v1  }
0x3d: {  	[tilespmem:$0x360] =	vst v1  }
0x3e: {  	[tilespmem:$0x370] =	vst v1  }
0x3f: {  	[spmem:s5] =	stream.linear.scatter [tilespmem:s12], [sflag:$0x1], $0x280, $0x38;
	[tilespmem:$0x880] =	vst v63  }
0x40: {  	_ =	swait.ge [sflag:s13], $0x280  }
0x41: {  	[sflag:s13] =	ssyncset.done $0x0  }
0x42: {  	[sflag:s13] =	ssyncadd.s32 $0xFFFFFD80  }
0x43: {  	[spmem:s6] =	stream.linear.scatter [tilespmem:s12], [sflag:$0x1], $0x280, $0x38;
	[tilespmem:$0x880] =	vst v63  }
0x44: {  	_ =	swait.ge [sflag:s13], $0x280  }
0x45: {  	[sflag:s13] =	ssyncset.done $0x0  }
0x46: {  	[sflag:s13] =	ssyncadd.s32 $0xFFFFFD80  }
0x47: {  	s16 =	sadd.s32 $0x0, s11;
	[bflag:$0x0] =	sbarrier.arrive $0xFFFF  }
0x48: {  	[tilespmem:s4], [sflag:$0x1] =	stream.linear.gather [hbm4b:s16+s4], $0x80, $0x38;
	[tilespmem:$0x880] =	vst v63  }
0x49: {  	_ =	swait.ge [sflag:s13], $0x80  }
0x4a: {  	[sflag:s13] =	ssyncset.done $0x0  }
0x4b: {  	[sflag:s13] =	ssyncadd.s32 $0xFFFFFF80  }
0x4c: {  	[spmem:s2] =	stream.indirect.scatter.add.f32 [tilespmem:s14], [sflag:$0x1], $0x1, s4, s14, $0xb8;
	[tilespmem:$0x880] =	vst v63  }
0x4d: {  	_ =	swait.ge [sflag:s13], $0x80  }
0x4e: {  	[sflag:s13] =	ssyncset.done $0x0  }
0x4f: {  	s31 =	sadd.s32 $0x0, s10;
	[sflag:s13] =	ssyncadd.s32 $0xFFFFFF80  }
0x50: {  	[tilespmem:s4], [sflag:$0x1] =	stream.linear.gather [hbm4b:s31+s4], $0x80, $0x38;
	[tilespmem:$0x880] =	vst v63  }
0x51: {  	_ =	swait.ge [sflag:s13], $0x80  }
0x52: {  	[sflag:s13] =	ssyncset.done $0x0  }
0x53: {  	[sflag:s13] =	ssyncadd.s32 $0xFFFFFF80  }
0x54: {  	[spmem:s3] =	stream.indirect.scatter.add.f32 [tilespmem:s14], [sflag:$0x1], $0x1, s4, s14, $0xb8;
	[tilespmem:$0x880] =	vst v63  }
0x55: {  	_ =	swait.ge [sflag:s13], $0x80  }
0x56: {  	s17 =	simm.s32 $0x20;
	s16 =	simm.s32 $0x10;
	[sflag:s13] =	ssyncset.done $0x0  }
.LBB2_2:
0x57: {  	s18 =	sadd.s32 s16, s11  }
0x58: {  	[sflag:s13] =	ssyncadd.s32 $0xFFFFFF80;
	s19 =	smov.u32 s17;
	s20 =	sadd.s32 $0x10, s17  }
0x59: {  	[tilespmem:s4], [sflag:$0x1] =	stream.linear.gather [hbm4b:s18+s4], $0x80, $0x38;
	[tilespmem:$0x880] =	vst v63  }
0x5a: {  	p0 =	sne.s32 s17, $0x4E0;
	_ =	swait.ge [sflag:s13], $0x80  }
0x5b: {  	[sflag:s13] =	ssyncset.done $0x0  }
0x5c: {  	[sflag:s13] =	ssyncadd.s32 $0xFFFFFF80  }
0x5d: {  	[spmem:s2] =	stream.indirect.scatter.add.f32 [tilespmem:s14], [sflag:$0x1], $0x1, s4, s14, $0xb8;
	[tilespmem:$0x880] =	vst v63  }
0x5e: {  	_ =	swait.ge [sflag:s13], $0x80  }
0x5f: {  	[sflag:s13] =	ssyncset.done $0x0  }
0x60: {  	s17 =	sadd.s32 s16, s10;
	s16 =	smov.u32 s19;
	[sflag:s13] =	ssyncadd.s32 $0xFFFFFF80  }
0x61: {  	[tilespmem:s4], [sflag:$0x1] =	stream.linear.gather [hbm4b:s17+s4], $0x80, $0x38;
	[tilespmem:$0x880] =	vst v63  }
0x62: {  	_ =	swait.ge [sflag:s13], $0x80  }
.Ltmp0:
0x63: {  	[sflag:s13] =	ssyncset.done $0x0;
	(pc) =	sbr.rel @p0 .LBB2_2-.Ltmp0, $4  }
0x64: {  	[sflag:s13] =	ssyncadd.s32 $0xFFFFFF80  }
0x65: {  	[spmem:s3] =	stream.indirect.scatter.add.f32 [tilespmem:s14], [sflag:$0x1], $0x1, s4, s14, $0xb8;
	[tilespmem:$0x880] =	vst v63  }
0x66: {  	_ =	swait.ge [sflag:s13], $0x80  }
0x67: {  	s17 =	smov.u32 s20;
	[sflag:s13] =	ssyncset.done $0x0  }
0x68: {  	s17 =	sadd.s32 s16, s11;
	[sflag:s13] =	ssyncadd.s32 $0xFFFFFF80  }
0x69: {  	[tilespmem:s4], [sflag:$0x1] =	stream.linear.gather [hbm4b:s17+s4], $0x80, $0x38;
	[tilespmem:$0x880] =	vst v63  }
0x6a: {  	_ =	swait.ge [sflag:s13], $0x80  }
0x6b: {  	[sflag:s13] =	ssyncset.done $0x0  }
0x6c: {  	[sflag:s13] =	ssyncadd.s32 $0xFFFFFF80  }
0x6d: {  	[spmem:s2] =	stream.indirect.scatter.add.f32 [tilespmem:s14], [sflag:$0x1], $0x1, s4, s14, $0xb8;
	[tilespmem:$0x880] =	vst v63  }
0x6e: {  	_ =	swait.ge [sflag:s13], $0x80  }
0x6f: {  	[sflag:s13] =	ssyncset.done $0x0  }
0x70: {  	s31 =	sadd.s32 s16, s10;
	[sflag:s13] =	ssyncadd.s32 $0xFFFFFF80  }
0x71: {  	[tilespmem:s4], [sflag:$0x1] =	stream.linear.gather [hbm4b:s31+s4], $0x80, $0x38;
	[tilespmem:$0x880] =	vst v63  }
0x72: {  	_ =	swait.ge [sflag:s13], $0x80  }
0x73: {  	[sflag:s13] =	ssyncset.done $0x0  }
0x74: {  	[sflag:s13] =	ssyncadd.s32 $0xFFFFFF80  }
0x75: {  	[spmem:s3] =	stream.indirect.scatter.add.f32 [tilespmem:s14], [sflag:$0x1], $0x1, s4, s14, $0xb8;
	[tilespmem:$0x880] =	vst v63  }
0x76: {  	_ =	swait.ge [sflag:s13], $0x80  }
0x77: {  	[sflag:s13] =	ssyncset.done $0x0  }
0x78: {  	[sflag:s13] =	ssyncadd.s32 $0xFFFFFF80  }
0x79: {  	[bflag:$0x0] =	sbarrier.arrive $0xFFFF  }
0x7a: {  	[tilespmem:s12], [sflag:$0x1] =	stream.linear.gather [spmem:s5], $0x280, $0x38;
	[tilespmem:$0x880] =	vst v63  }
0x7b: {  	_ =	swait.ge [sflag:s13], $0x280  }
0x7c: {  	[sflag:s13] =	ssyncset.done $0x0  }
0x7d: {  	[sflag:s13] =	ssyncadd.s32 $0xFFFFFD80  }
0x7e: {  	[hbm4b:s7+s14] =	stream.strided.scatter [tilespmem:s12], [sflag:$0x1], $0x280, s12, s14, $0x38;
	[tilespmem:$0x880] =	vst v63  }
0x7f: {  	_ =	swait.ge [sflag:s13], $0x280  }
0x80: {  	[sflag:s13] =	ssyncset.done $0x0  }
0x81: {  	[sflag:s13] =	ssyncadd.s32 $0xFFFFFD80  }
0x82: {  	[tilespmem:s12], [sflag:$0x1] =	stream.linear.gather [spmem:s6], $0x280, $0x38;
	[tilespmem:$0x880] =	vst v63  }
0x83: {  	s15 =	sadd.s32 $0x1, s15;
	_ =	swait.ge [sflag:s13], $0x280  }
0x84: {  	p0 =	sne.s32 s15, s9;
	[sflag:s13] =	ssyncset.done $0x0  }
.Ltmp1:
0x85: {  	[sflag:s13] =	ssyncadd.s32 $0xFFFFFD80;
	(pc) =	sbr.rel @p0 .LBB2_1-.Ltmp1, $4  }
0x86: {  	[hbm4b:s8+s14] =	stream.strided.scatter [tilespmem:s12], [sflag:$0x1], $0x280, s12, s14, $0x38;
	[tilespmem:$0x880] =	vst v63  }
0x87: {  	_ =	swait.ge [sflag:s13], $0x280  }
0x88: {  	[sflag:s13] =	ssyncset.done $0x0  }
0x89: {  	[sflag:s13] =	ssyncadd.s32 $0xFFFFFD80  }
0x8a: {  	_ =	sfence.sel $0x180000  }
0x8b: {  	[bflag:$0x0] =	sbarrier.arrive $0xFFFF  }
0x8c: {  	p0 =	sne.s32 s1, $0x0;
	_ =	strace $0x90000047  }
0x8d: {  	s0 =	sadd.s32 @!p0 $0x100000, s0;
	[bflag:$0x2] =	sbarrier.arrive $0xFFFF  }
0x8e: {  	[sflag:s0] =	ssyncadd.tile.s32 @!p0 $0x1;
	_ =	shalt  }
.Lfunc_end2:
_tile_overlayer_lowered:
.L_overlay_start_2:
0x8f: {  	(tag) =	ssettag $0x2  }
0x90: {  	s0 =	rddreg [dreg:$0x0];
	s2 =	stileid.u32  }
0x91: {  	s1 =	rddreg [dreg:$0x1];
	p0 =	sne.s32 s2, $0x0  }
0x92: {  	s3 =	rddreg [dreg:$0x2];
	[bflag:$0x3] =	sbarrier.arrive $0xFFFF;
	s2 =	simm.s32 @!p0 $0x1C01  }
0x93: {  	[timem:s3], [sflag:s2] =	dma.local @!p0 [hbm:s0], s1  }
0x94: {  	s0 =	simm.s32 @!p0 $0x1  }
0x95: {  	_ =	swait.ge @!p0 [sflag:s0], s1  }
0x96: {  	s1 =	ssub.s32 @!p0 $0x0, s1;
	[sflag:s0] =	ssyncset.done @!p0 $0x0  }
0x97: {  	[sflag:s0] =	ssyncadd.s32 @!p0 s1  }
0x98: {  	[bflag:$0x3] =	sbarrier.arrive $0xFFFF  }
0x99: {  	_ =	shalt  }

// kernel: kernel.9.cloned.1.call-start
scs
__scs_entry_jumppad:
0x0: {  	(pc) =	sbr.rel $0x88, $3  }
0x1: {  	(tag) =	ssettag $0x0;
	lr =	simm.s32 $0x1  }
0x2: {  	[smem:$0x3F97] =	sst lr;
	_ =	strace $0xD0000000  }
0x3: {  	_ = 	snop  }
0x4: {  	_ = 	snop  }
0x5: {  	_ = 	snop  }
0x6: {  	_ = 	snop  }
0x7: {  	_ = 	snop  }
__scs_overlays_trampoline_lowered:
0x8: {  	[smem:$0x3FA6] =	sst s0  }
0x9: {  	[smem:$0x3FA7] =	sst s1  }
0xa: {  	[smem:$0x3FA8] =	sst s2  }
0xb: {  	[smem:$0x3FA9] =	sst s3  }
0xc: {  	[smem:$0x3FAA] =	sst s4  }
0xd: {  	[smem:$0x3FAB] =	sst s5  }
0xe: {  	[smem:$0x3FAC] =	sst s6  }
0xf: {  	[smem:$0x3FAD] =	sst s7  }
0x10: {  	[smem:$0x3FAE] =	sst s8  }
0x11: {  	[smem:$0x3FAF] =	sst s9;
	s0 =	simm.s32 @!p0 $0x0  }
0x12: {  	s1 =	sld [smem:$0x3F95];
	s0 =	simm.s32 @p0 $0x1  }
0x13: {  	[smem:$0x3FB0] =	sst s0;
	s0 =	simm.s32 @!p1 $0x0  }
0x14: {  	s2 =	sld [smem:$0x3F94];
	s0 =	simm.s32 @p1 $0x1  }
0x15: {  	[smem:$0x3FB1] =	sst s0;
	s0 =	simm.s32 @!p2 $0x0  }
0x16: {  	s3 =	sld [smem:$0x3FDB];
	s0 =	simm.s32 @p2 $0x1  }
0x17: {  	s4 =	simm.s32 $0x1BF5;
	[smem:$0x3FB3] =	sst s0  }
0x18: {  	s0 =	sld [smem:$0x3F96];
	_ =	swait.ge [sflag:s4], $0x0  }
0x19: {  	s7 =	sld [smem:$0x3F97]  }
0x1a: {  	s8 =	sadd.s32 $0xFFFFE003, lr  }
0x1b: {  	s9 =	sadd.s32 $0xFFFFFEF7, lr;
	s5 =	simm.s32 $0xFFFFFFFF;
	p2 =	slt.u32 s8, $0xFFFFF086  }
0x1c: {  	p1 =	slt.u32 s9, $0xF7A;
	s5 =	simm.s32 @!p2 $0x0  }
0x1d: {  	s5 =	simm.s32 @p1 $0x1;
	p0 =	seq.s32 s7, s2  }
0x1e: {  	s7 =	smul.u32 @!p0 $0xF7A, s2;
	p2 =	seq.s32 @!p0 s5, $0x0  }
0x1f: {  	s9 =	smul.u32 $0xF7A, s1;
	s8 =	simm.s32 @!p0 $0x1BF5;
	p2 =	por !p2, p0  }
0x20: {  	[sflag:s8] =	ssyncset.s32 @!p0 $0xFFFFF086;
	s6 =	sadd.s32 @!p0 s3, s7;
	s7 =	simm.s32 @!p0 $0x108  }
0x21: {  	s3 =	sadd.s32 s3, s9;
	s6 =	sadd.s32 @!p0 $0x88, s6;
	s7 =	simm.s32 @p2 $0x1082  }
0x22: {  	[simem:s7], [sflag:s8] =	dma.local @!p0 [hbm:s6], $0xF7A  }
0x23: {  	s9 =	sor.u32 $0xD0000000, s2;
	s6 =	simm.s32 $0x108;
	_ =	swait.ge @!p0 [sflag:s8], $0x0  }
0x24: {  	s3 =	sadd.s32 $0x88, s3;
	s6 =	simm.s32 @!p1 $0x1082;
	[sflag:s4] =	ssyncset.s32 $0xFFFFF086  }
0x25: {  	[simem:s6], [sflag:s4] =	dma.local [hbm:s3], $0xF7A  }
0x26: {  	[smem:$0x3F97] =	sst s1;
	(tag) =	ssettag s2;
	_ =	strace s9  }
0x27: {  	s1 =	sld [smem:$0x3FA7]  }
0x28: {  	s2 =	sld [smem:$0x3FA8]  }
0x29: {  	s4 =	sld [smem:$0x3FAA]  }
0x2a: {  	p0 =	seq.s32 s5, $0x0;
	s5 =	sld [smem:$0x3FAB]  }
0x2b: {  	s6 =	sld [smem:$0x3FAC]  }
0x2c: {  	s7 =	sld [smem:$0x3FAD]  }
0x2d: {  	s3 =	simm.s32 $0x108;
	s8 =	sld [smem:$0x3FAE]  }
0x2e: {  	s3 =	simm.s32 @!p0 $0x1082;
	s9 =	sld [smem:$0x3FAF]  }
0x2f: {  	lr =	sadd.s32 s0, s3;
	s0 =	sld [smem:$0x3FA6]  }
0x30: {  	s3 =	sld [smem:$0x3FA9]  }
0x31: {  	[smem:$0x3FB2] =	sst s10  }
0x32: {  	s10 =	sld [smem:$0x3FB0];
	_ =	sdelay $0x3  }
0x33: {  	p0 =	seq.s32 s10, $0x1;
	s10 =	sld [smem:$0x3FB2];
	_ =	sdelay $0x3  }
0x34: {  	[smem:$0x3FB2] =	sst s10  }
0x35: {  	s10 =	sld [smem:$0x3FB1];
	_ =	sdelay $0x3  }
0x36: {  	p1 =	seq.s32 s10, $0x1;
	s10 =	sld [smem:$0x3FB2];
	_ =	sdelay $0x3  }
0x37: {  	[smem:$0x3FB2] =	sst s10  }
0x38: {  	s10 =	sld [smem:$0x3FB3]  }
0x39: {  	_ = 	snop;
	(pc) =	sbr.ind lr, $3  }
0x3a: {  	_ = 	snop  }
0x3b: {  	_ = 	snop  }
0x3c: {  	p2 =	seq.s32 s10, $0x1;
	s10 =	sld [smem:$0x3FB2]  }
0x3d: {  	_ =	shalt  }
0x3e: {  	_ =	shalt  }
0x3f: {  	_ =	shalt  }
0x40: {  	_ =	shalt  }
0x41: {  	_ =	shalt  }
0x42: {  	_ =	shalt  }
0x43: {  	_ =	shalt  }
0x44: {  	_ =	shalt  }
0x45: {  	_ =	shalt  }
0x46: {  	_ =	shalt  }
0x47: {  	_ =	shalt  }
0x48: {  	_ =	shalt  }
0x49: {  	_ =	shalt  }
0x4a: {  	_ =	shalt  }
0x4b: {  	_ =	shalt  }
0x4c: {  	_ =	shalt  }
0x4d: {  	_ =	shalt  }
0x4e: {  	_ =	shalt  }
0x4f: {  	_ =	shalt  }
0x50: {  	_ =	shalt  }
0x51: {  	_ =	shalt  }
0x52: {  	_ =	shalt  }
0x53: {  	_ =	shalt  }
0x54: {  	_ =	shalt  }
0x55: {  	_ =	shalt  }
0x56: {  	_ =	shalt  }
0x57: {  	_ =	shalt  }
0x58: {  	_ =	shalt  }
0x59: {  	_ =	shalt  }
0x5a: {  	_ =	shalt  }
0x5b: {  	_ =	shalt  }
0x5c: {  	_ =	shalt  }
0x5d: {  	_ =	shalt  }
0x5e: {  	_ =	shalt  }
0x5f: {  	_ =	shalt  }
0x60: {  	_ =	shalt  }
0x61: {  	_ =	shalt  }
0x62: {  	_ =	shalt  }
0x63: {  	_ =	shalt  }
0x64: {  	_ =	shalt  }
0x65: {  	_ =	shalt  }
0x66: {  	_ =	shalt  }
0x67: {  	_ =	shalt  }
0x68: {  	_ =	shalt  }
0x69: {  	_ =	shalt  }
0x6a: {  	_ =	shalt  }
0x6b: {  	_ =	shalt  }
0x6c: {  	_ =	shalt  }
0x6d: {  	_ =	shalt  }
0x6e: {  	_ =	shalt  }
0x6f: {  	_ =	shalt  }
0x70: {  	_ =	shalt  }
0x71: {  	_ =	shalt  }
0x72: {  	_ =	shalt  }
0x73: {  	_ =	shalt  }
0x74: {  	_ =	shalt  }
0x75: {  	_ =	shalt  }
0x76: {  	_ =	shalt  }
0x77: {  	_ =	shalt  }
0x78: {  	_ =	shalt  }
0x79: {  	_ =	shalt  }
0x7a: {  	_ =	shalt  }
0x7b: {  	_ =	shalt  }
0x7c: {  	_ =	shalt  }
0x7d: {  	_ =	shalt  }
0x7e: {  	_ =	shalt  }
0x7f: {  	_ =	shalt  }
0x80: {  	_ =	shalt  }
0x81: {  	_ =	shalt  }
0x82: {  	_ =	shalt  }
0x83: {  	_ =	shalt  }
0x84: {  	_ =	shalt  }
0x85: {  	_ =	shalt  }
0x86: {  	_ =	shalt  }
0x87: {  	_ =	shalt  }
.Lfunc_end0:
.L_simem_size_0:
called_computation.1_lowered:
.L_overlay_start_0:
0x88: {  	s2 =	sld [smem:$0x3FD9]  }
0x89: {  	s3 =	sld [smem:$0x3FFE];
	_ =	sdelay $0x1  }
0x8a: {  	s1 =	srdreg.scid  }
0x8b: {  	s0 =	sand.u32 $0x1, s1  }
0x8c: {  	s16 =	sshll.u32 s0, $0xA;
	s2 =	sadd.s32 s3, s2  }
0x8d: {  	s2 =	sadd.s32 s2, s16  }
0x8e: {  	[smem:$0x3FBE] =	sst s2  }
0x8f: {  	_ = 	snop  }
0x90: {  	(tm) =	ssettm $0x1  }
0x91: {  	s17 =	sld [smem:$0x3FFB];
	_ =	sdelay $0x3  }
0x92: {  	_ =	strace s17  }
0x93: {  	s2 =	sld [smem:$0x3FFC];
	_ =	sdelay $0x3  }
0x94: {  	_ =	strace s2  }
0x95: {  	s2 =	sld [smem:$0x3FFD];
	_ =	sdelay $0x3  }
0x96: {  	_ =	strace s2  }
0x97: {  	_ =	strace $0x8FFFFFFF  }
0x98: {  	s18 =	sld [smem:$0x3FDB];
	_ =	sdelay $0x1  }
0x99: {  	s19 =	simm.s32 $_scs_section_size  }
0x9a: {  	s4 =	simm.s32 $_size__tile_overlayer_lowered;
	s5 =	simm.s32 $_tile_overlayer_lowered  }
0x9b: {  	s22 =	simm.s32 $0x1BFF;
	s21 =	sshll.u32 s5, $0x1;
	s2 =	sadd.s32 s19, s18  }
0x9c: {  	s6 =	simm.s32 $0x0;
	s20 =	sshll.u32 s4, $0x1;
	s4 =	sadd.s32 s21, s2  }
0x9d: {  	[timem:s6], [sflag:s22] =	dma.local [hbm:s4], s20  }
0x9e: {  	_ =	swait.ge [sflag:s22], s20  }
0x9f: {  	s3 =	ssub.s32 $0x0, s20;
	[sflag:s22] =	ssyncset.done $0x0  }
0xa0: {  	[sflag:s22] =	ssyncadd.s32 s3;
	_ =	sdelay $0x1  }
0xa1: {  	s23 =	simm.s32 $0x1B8B  }
0xa2: {  	_ =	swait.ge [sflag:s23], $0x1  }
0xa3: {  	[sflag:s23] =	ssyncset.done $0x0  }
0xa4: {  	s25 =	simm.s32 $0x1B8E;
	s24 =	sld [smem:$0x3FFE];
	[sflag:s23] =	ssyncadd.s32 $0xFFFFFFFF  }
0xa5: {  	s26 =	simm.s32 $execute0_lowered;
	[smem:$0x3FD2] =	sst s25  }
0xa6: {  	s4 =	sshll.u32 s26, $0x1;
	_ =	strace $0x80000049;
	[dreg:$0x1] =	wrdreg $0xFFFFFFFF  }
0xa7: {  	s28 =	simm.s32 $_size_execute0_lowered;
	s2 =	sadd.s32 s2, s4;
	[dreg:$0x0] =	wrdreg $0x0  }
0xa8: {  	s4 =	sshll.u32 s28, $0x1;
	[dreg:$0x2] =	wrdreg s2  }
0xa9: {  	[dreg:$0x3] =	wrdreg s4  }
0xaa: {  	[dreg:$0x4] =	wrdreg $0xC0  }
0xab: {  	_ =	task [dreg:s6], $0x5FFFF  }
0xac: {  	[dreg:$0x1] =	wrdreg $0xFFFFFFFF  }
0xad: {  	[dreg:$0x0] =	wrdreg $0x60  }
0xae: {  	[dreg:$0x2] =	wrdreg s24  }
0xaf: {  	[dreg:$0x3] =	wrdreg $0x41000  }
0xb0: {  	[dreg:$0x4] =	wrdreg $0x9  }
0xb1: {  	_ =	task.clear_ibuf [dreg:s6], $0x5FFFF;
	_ =	strace $0x90000049  }
0xb2: {  	s29 =	simm.s32 $0x9;
	_ =	strace $0x8000004B  }
0xb3: {  	_ =	swait.ge [sflag:s29], $0x1  }
0xb4: {  	[sflag:s29] =	ssyncadd.s32 $0xFFFFFFFF  }
0xb5: {  	_ =	strace $0x9000004B  }
0xb6: {  	_ =	sfence  }
0xb7: {  	s30 =	sld [smem:$0x0];
	_ =	sdelay $0x2  }
0xb8: {  	s31 =	sshll.u32 s1, $0xD;
	s1 =	sshrl.u32 s1, $0x2  }
0xb9: {  	s3 =	sand.u32 $0x4000, s31;
	s1 =	sadd.s32 s1, s30  }
0xba: {  	s0 =	sor.u32 s3, s0;
	s1 =	sshll.u32 s1, $0x11  }
0xbb: {  	s0 =	sor.u32 s1, s0  }
0xbc: {  	s0 =	sadd.s32 $0x8F2B, s0  }
0xbd: {  	[sflag:s0] =	ssyncadd.remote.s32 $0x1  }
0xbe: {  	_ =	sfence.sel $0xFFFF  }
0xbf: {  	[dreg:$0x0] =	wrdreg $0xFFFFFFFF;
	(pc) =	sbr.abs _section_cstart, $3  }
0xc0: {  	[dreg:$0x1] =	wrdreg $0xFFFFFFFF  }
0xc1: {  	_ =	task.clear_ibuf [dreg:s6], $0x2FFFF;
	_ =	strace $0x9FFFFFFF  }
0xc2: {  	(tm) =	ssettm $0x7FFFFFFF  }
0xc3: {  	_ =	shalt  }
tec
execute0_lowered:
.L_overlay_start_1:
0x0: {  	(tag) =	ssettag $0x1  }
0x1: {  	s5 =	rddreg [dreg:$0x0]  }
0x2: {  	s2 =	rddreg [dreg:$0x1]  }
0x3: {  	s0 =	rddreg [dreg:$0x2]  }
0x4: {  	s3 =	simm.s32 $0x0;
	s1 =	stileid.u32;
	s7 =	srdreg.scid  }
0x5: {  	s21 =	simm.s32 $0x1;
	s22 =	simm.s32 $0x0;
	s6 =	smul.u32 $0x9E0, s1  }
0x6: {  	[smem:$0x7FF] =	sst s3;
	s4 =	sadd.s32 $0x16A00, s5;
	s24 =	smul.u32 $0x50000, s1  }
0x7: {  	s12 =	sand.u32 $0x1, s7;
	s9 =	smul.u32 $0x14000, s1;
	s15 =	sadd.s32 $0x3EA00, s5  }
0x8: {  	_ =	strace $0x8000004A;
	s25 =	ssub.s32 $0x2, s12;
	s18 =	smul.u32 $0x140000, s12  }
0x9: {  	s28 =	smul.u32 $0x4F0, s12;
	s14 =	sadd.s32 s6, s5;
	s26 =	sshrl.u32 s25, $0x1  }
0xa: {  	s7 =	sshrl.u32 s24, $0x2;
	s10 =	sadd.s32 $0x4000, s9;
	s13 =	sadd.s32 $0x8000, s9  }
0xb: {  	s17 =	sadd.s32 $0xC000, s9;
	s19 =	sadd.s32 $0x10000, s9;
	s16 =	ssub.s32 s25, s26  }
0xc: {  	s5 =	sadd.s32 s7, s2;
	s6 =	sadd.s32 s10, s2;
	s7 =	sadd.s32 s13, s2  }
0xd: {  	s8 =	sadd.s32 s17, s2;
	s11 =	sadd.s32 s9, s18;
	s10 =	sadd.s32 s18, s10  }
0xe: {  	s9 =	sadd.s32 s19, s2;
	s13 =	sadd.s32 s18, s13;
	s17 =	sadd.s32 s18, s17  }
0xf: {  	s30 =	sadd.s32 s18, s19;
	s31 =	sadd.s32 s28, s14;
	s18 =	simm.s32 $0x100  }
0x10: {  	s19 =	simm.s32 $0x2;
	s11 =	sshrl.u32 s11, $0x3;
	s20 =	sshrl.u32 s10, $0x3  }
0x11: {  	s13 =	sshrl.u32 s13, $0x3;
	s29 =	sshrl.u32 s17, $0x3;
	s17 =	sshrl.u32 s30, $0x3  }
0x12: {  	s10 =	sadd.s32 s15, s11;
	s11 =	sadd.s32 s15, s20;
	s12 =	sadd.s32 s15, s13  }
0x13: {  	s13 =	sadd.s32 s15, s29;
	s14 =	sadd.s32 s15, s17;
	s15 =	smax.u32 s16, $0x1  }
0x14: {  	v0 =	vimm.f32 $0.0e+00;
	s16 =	sadd.s32 $0x2E00, s31;
	s17 =	sadd.s32 $0xCC00, s31;
	s20 =	simm.s32 $0x80  }
.LBB2_1:
0x15: {  	s23 =	simm.s32 $0x0;
	s24 =	simm.s32 $0x200  }
.LBB2_2:
0x16: {  	p0 =	sne.s32 s24, $0xFE00;
	[tilespmem:s23+$0x170] =	vst v0  }
0x17: {  	[tilespmem:s23+$0x100] =	vst v0  }
0x18: {  	[tilespmem:s23+$0x110] =	vst v0  }
.Ltmp0:
0x19: {  	[tilespmem:s23+$0x120] =	vst v0;
	(pc) =	sbr.rel @p0 .LBB2_2-.Ltmp0, $4  }
0x1a: {  	[tilespmem:s23+$0x130] =	vst v0  }
0x1b: {  	[tilespmem:s23+$0x140] =	vst v0  }
0x1c: {  	[tilespmem:s23+$0x150] =	vst v0  }
0x1d: {  	[tilespmem:s23+$0x160] =	vst v0;
	s23 =	sshra.s32 s24, $0x2;
	s24 =	sadd.s32 $0x200, s24  }
0x1e: {  	[tilespmem:s23+$0x170] =	vst v0  }
0x1f: {  	[tilespmem:s23+$0x100] =	vst v0  }
0x20: {  	[tilespmem:s23+$0x110] =	vst v0  }
0x21: {  	[tilespmem:s23+$0x120] =	vst v0  }
0x22: {  	[tilespmem:s23+$0x130] =	vst v0  }
0x23: {  	[tilespmem:s23+$0x140] =	vst v0  }
0x24: {  	[tilespmem:s23+$0x150] =	vst v0  }
0x25: {  	[tilespmem:s23+$0x160] =	vst v0  }
0x26: {  	[spmem:s5] =	stream.linear.scatter [tilespmem:s18], [sflag:$0x2], $0x4000, $0x38;
	[tilespmem:$0x18100] =	vst v63  }
0x27: {  	_ =	swait.ge [sflag:s19], $0x4000  }
0x28: {  	[sflag:s19] =	ssyncset.done $0x0  }
0x29: {  	[sflag:s19] =	ssyncadd.s32 $0xFFFFC000  }
0x2a: {  	[spmem:s6] =	stream.linear.scatter [tilespmem:s18], [sflag:$0x2], $0x4000, $0x38;
	[tilespmem:$0x18100] =	vst v63  }
0x2b: {  	_ =	swait.ge [sflag:s19], $0x4000  }
0x2c: {  	[sflag:s19] =	ssyncset.done $0x0  }
0x2d: {  	[sflag:s19] =	ssyncadd.s32 $0xFFFFC000  }
0x2e: {  	[spmem:s7] =	stream.linear.scatter [tilespmem:s18], [sflag:$0x2], $0x4000, $0x38;
	[tilespmem:$0x18100] =	vst v63  }
0x2f: {  	_ =	swait.ge [sflag:s19], $0x4000  }
0x30: {  	[sflag:s19] =	ssyncset.done $0x0  }
0x31: {  	[sflag:s19] =	ssyncadd.s32 $0xFFFFC000  }
0x32: {  	[spmem:s8] =	stream.linear.scatter [tilespmem:s18], [sflag:$0x2], $0x4000, $0x38;
	[tilespmem:$0x18100] =	vst v63  }
0x33: {  	_ =	swait.ge [sflag:s19], $0x4000  }
0x34: {  	[sflag:s19] =	ssyncset.done $0x0  }
0x35: {  	[sflag:s19] =	ssyncadd.s32 $0xFFFFC000  }
0x36: {  	[spmem:s9] =	stream.linear.scatter [tilespmem:s18], [sflag:$0x2], $0x4000, $0x38;
	[tilespmem:$0x18100] =	vst v63  }
0x37: {  	_ =	swait.ge [sflag:s19], $0x4000  }
0x38: {  	[sflag:s19] =	ssyncset.done $0x0  }
0x39: {  	[sflag:s19] =	ssyncadd.s32 $0xFFFFC000  }
0x3a: {  	s30 =	sadd.s32 $0x0, s17;
	[bflag:$0x0] =	sbarrier.arrive $0xFFFF  }
0x3b: {  	[tilespmem:s3], [sflag:$0x2] =	stream.linear.gather [hbm4b:s30+s3], $0x80, $0x38;
	[tilespmem:$0x18100] =	vst v63  }
0x3c: {  	_ =	swait.ge [sflag:s19], $0x80  }
0x3d: {  	[sflag:s19] =	ssyncset.done $0x0  }
0x3e: {  	s31 =	sadd.s32 $0x0, s16;
	[sflag:s19] =	ssyncadd.s32 $0xFFFFFF80  }
0x3f: {  	[tilespmem:s20], [sflag:$0x2] =	stream.linear.gather [hbm4b:s31+s3], $0x80, $0x38;
	[tilespmem:$0x18100] =	vst v63  }
0x40: {  	_ =	swait.ge [sflag:s19], $0x80  }
0x41: {  	[sflag:s19] =	ssyncset.done $0x0  }
0x42: {  	[sflag:s19] =	ssyncadd.s32 $0xFFFFFF80  }
0x43: {  	[tilespmem:s18], [sflag:$0x1] =	stream.indirect.gather [hbm4b:s4+s20], $0x80, s3, s20, $0xb8;
	[tilespmem:$0x18100] =	vst v63  }
0x44: {  	_ =	swait.ge [sflag:s21], $0x4000  }
0x45: {  	[sflag:s21] =	ssyncset.done $0x0  }
0x46: {  	[sflag:s21] =	ssyncadd.s32 $0xFFFFC000  }
0x47: {  	[spmem:s2] =	stream.indirect.scatter.add.f32 [tilespmem:s18], [sflag:$0x2], $0x80, s20, s20, $0xb8;
	[tilespmem:$0x18100] =	vst v63  }
0x48: {  	_ =	swait.ge [sflag:s19], $0x4000  }
0x49: {  	s23 =	simm.s32 $0x10;
	s24 =	simm.s32 $0x20;
	[sflag:s19] =	ssyncset.done $0x0  }
.LBB2_4:
0x4a: {  	s25 =	sadd.s32 s23, s17  }
0x4b: {  	[sflag:s19] =	ssyncadd.s32 $0xFFFFC000;
	s26 =	smov.u32 s24;
	s28 =	sadd.s32 $0x10, s24  }
0x4c: {  	[tilespmem:s3], [sflag:$0x2] =	stream.linear.gather [hbm4b:s25+s3], $0x80, $0x38;
	[tilespmem:$0x18100] =	vst v63  }
0x4d: {  	p0 =	sne.s32 s24, $0x4E0;
	_ =	swait.ge [sflag:s19], $0x80  }
0x4e: {  	[sflag:s19] =	ssyncset.done $0x0  }
0x4f: {  	s24 =	sadd.s32 s23, s16;
	s23 =	smov.u32 s26;
	[sflag:s19] =	ssyncadd.s32 $0xFFFFFF80  }
0x50: {  	[tilespmem:s20], [sflag:$0x2] =	stream.linear.gather [hbm4b:s24+s3], $0x80, $0x38;
	[tilespmem:$0x18100] =	vst v63  }
0x51: {  	_ =	swait.ge [sflag:s19], $0x80  }
0x52: {  	[sflag:s19] =	ssyncset.done $0x0  }
0x53: {  	[sflag:s19] =	ssyncadd.s32 $0xFFFFFF80  }
0x54: {  	[tilespmem:s18], [sflag:$0x1] =	stream.indirect.gather [hbm4b:s4+s20], $0x80, s3, s20, $0xb8;
	[tilespmem:$0x18100] =	vst v63  }
0x55: {  	_ =	swait.ge [sflag:s21], $0x4000  }
.Ltmp1:
0x56: {  	[sflag:s21] =	ssyncset.done $0x0;
	(pc) =	sbr.rel @p0 .LBB2_4-.Ltmp1, $4  }
0x57: {  	[sflag:s21] =	ssyncadd.s32 $0xFFFFC000  }
0x58: {  	[spmem:s2] =	stream.indirect.scatter.add.f32 [tilespmem:s18], [sflag:$0x2], $0x80, s20, s20, $0xb8;
	[tilespmem:$0x18100] =	vst v63  }
0x59: {  	_ =	swait.ge [sflag:s19], $0x4000  }
0x5a: {  	s24 =	smov.u32 s28;
	[sflag:s19] =	ssyncset.done $0x0  }
0x5b: {  	s24 =	sadd.s32 s23, s17;
	[sflag:s19] =	ssyncadd.s32 $0xFFFFC000  }
0x5c: {  	[tilespmem:s3], [sflag:$0x2] =	stream.linear.gather [hbm4b:s24+s3], $0x80, $0x38;
	[tilespmem:$0x18100] =	vst v63  }
0x5d: {  	_ =	swait.ge [sflag:s19], $0x80  }
0x5e: {  	[sflag:s19] =	ssyncset.done $0x0  }
0x5f: {  	s31 =	sadd.s32 s23, s16;
	[sflag:s19] =	ssyncadd.s32 $0xFFFFFF80  }
0x60: {  	[tilespmem:s20], [sflag:$0x2] =	stream.linear.gather [hbm4b:s31+s3], $0x80, $0x38;
	[tilespmem:$0x18100] =	vst v63  }
0x61: {  	_ =	swait.ge [sflag:s19], $0x80  }
0x62: {  	[sflag:s19] =	ssyncset.done $0x0  }
0x63: {  	[sflag:s19] =	ssyncadd.s32 $0xFFFFFF80  }
0x64: {  	[tilespmem:s18], [sflag:$0x1] =	stream.indirect.gather [hbm4b:s4+s20], $0x80, s3, s20, $0xb8;
	[tilespmem:$0x18100] =	vst v63  }
0x65: {  	_ =	swait.ge [sflag:s21], $0x4000  }
0x66: {  	[sflag:s21] =	ssyncset.done $0x0  }
0x67: {  	[sflag:s21] =	ssyncadd.s32 $0xFFFFC000  }
0x68: {  	[spmem:s2] =	stream.indirect.scatter.add.f32 [tilespmem:s18], [sflag:$0x2], $0x80, s20, s20, $0xb8;
	[tilespmem:$0x18100] =	vst v63  }
0x69: {  	_ =	swait.ge [sflag:s19], $0x4000  }
0x6a: {  	[sflag:s19] =	ssyncset.done $0x0  }
0x6b: {  	[sflag:s19] =	ssyncadd.s32 $0xFFFFC000  }
0x6c: {  	[bflag:$0x0] =	sbarrier.arrive $0xFFFF  }
0x6d: {  	[tilespmem:s18], [sflag:$0x2] =	stream.linear.gather [spmem:s5], $0x4000, $0x38;
	[tilespmem:$0x18100] =	vst v63  }
0x6e: {  	_ =	swait.ge [sflag:s19], $0x4000  }
0x6f: {  	[sflag:s19] =	ssyncset.done $0x0  }
0x70: {  	[sflag:s19] =	ssyncadd.s32 $0xFFFFC000  }
0x71: {  	[hbm4b:s10+s3] =	stream.linear.scatter [tilespmem:s18], [sflag:$0x2], $0x4000, $0x38;
	[tilespmem:$0x18100] =	vst v63  }
0x72: {  	_ =	swait.ge [sflag:s19], $0x4000  }
0x73: {  	[sflag:s19] =	ssyncset.done $0x0  }
0x74: {  	[sflag:s19] =	ssyncadd.s32 $0xFFFFC000  }
0x75: {  	[tilespmem:s18], [sflag:$0x2] =	stream.linear.gather [spmem:s6], $0x4000, $0x38;
	[tilespmem:$0x18100] =	vst v63  }
0x76: {  	_ =	swait.ge [sflag:s19], $0x4000  }
0x77: {  	[sflag:s19] =	ssyncset.done $0x0  }
0x78: {  	[sflag:s19] =	ssyncadd.s32 $0xFFFFC000  }
0x79: {  	[hbm4b:s11+s3] =	stream.linear.scatter [tilespmem:s18], [sflag:$0x2], $0x4000, $0x38;
	[tilespmem:$0x18100] =	vst v63  }
0x7a: {  	_ =	swait.ge [sflag:s19], $0x4000  }
0x7b: {  	[sflag:s19] =	ssyncset.done $0x0  }
0x7c: {  	[sflag:s19] =	ssyncadd.s32 $0xFFFFC000  }
0x7d: {  	[tilespmem:s18], [sflag:$0x2] =	stream.linear.gather [spmem:s7], $0x4000, $0x38;
	[tilespmem:$0x18100] =	vst v63  }
0x7e: {  	_ =	swait.ge [sflag:s19], $0x4000  }
0x7f: {  	[sflag:s19] =	ssyncset.done $0x0  }
0x80: {  	[sflag:s19] =	ssyncadd.s32 $0xFFFFC000  }
0x81: {  	[hbm4b:s12+s3] =	stream.linear.scatter [tilespmem:s18], [sflag:$0x2], $0x4000, $0x38;
	[tilespmem:$0x18100] =	vst v63  }
0x82: {  	_ =	swait.ge [sflag:s19], $0x4000  }
0x83: {  	[sflag:s19] =	ssyncset.done $0x0  }
0x84: {  	[sflag:s19] =	ssyncadd.s32 $0xFFFFC000  }
0x85: {  	[tilespmem:s18], [sflag:$0x2] =	stream.linear.gather [spmem:s8], $0x4000, $0x38;
	[tilespmem:$0x18100] =	vst v63  }
0x86: {  	_ =	swait.ge [sflag:s19], $0x4000  }
0x87: {  	[sflag:s19] =	ssyncset.done $0x0  }
0x88: {  	[sflag:s19] =	ssyncadd.s32 $0xFFFFC000  }
0x89: {  	[hbm4b:s13+s3] =	stream.linear.scatter [tilespmem:s18], [sflag:$0x2], $0x4000, $0x38;
	[tilespmem:$0x18100] =	vst v63  }
0x8a: {  	_ =	swait.ge [sflag:s19], $0x4000  }
0x8b: {  	[sflag:s19] =	ssyncset.done $0x0  }
0x8c: {  	[sflag:s19] =	ssyncadd.s32 $0xFFFFC000  }
0x8d: {  	[tilespmem:s18], [sflag:$0x2] =	stream.linear.gather [spmem:s9], $0x4000, $0x38;
	[tilespmem:$0x18100] =	vst v63  }
0x8e: {  	s22 =	sadd.s32 $0x1, s22;
	_ =	swait.ge [sflag:s19], $0x4000  }
0x8f: {  	p0 =	sne.s32 s22, s15;
	[sflag:s19] =	ssyncset.done $0x0  }
.Ltmp2:
0x90: {  	[sflag:s19] =	ssyncadd.s32 $0xFFFFC000;
	(pc) =	sbr.rel @p0 .LBB2_1-.Ltmp2, $4  }
0x91: {  	[hbm4b:s14+s3] =	stream.linear.scatter [tilespmem:s18], [sflag:$0x2], $0x4000, $0x38;
	[tilespmem:$0x18100] =	vst v63  }
0x92: {  	_ =	swait.ge [sflag:s19], $0x4000  }
0x93: {  	[sflag:s19] =	ssyncset.done $0x0  }
0x94: {  	[sflag:s19] =	ssyncadd.s32 $0xFFFFC000  }
0x95: {  	_ =	sfence.sel $0x180000  }
0x96: {  	[bflag:$0x0] =	sbarrier.arrive $0xFFFF  }
0x97: {  	p0 =	sne.s32 s1, $0x0;
	_ =	strace $0x9000004A  }
0x98: {  	s0 =	sadd.s32 @!p0 $0x100000, s0;
	[bflag:$0x2] =	sbarrier.arrive $0xFFFF  }
0x99: {  	[sflag:s0] =	ssyncadd.tile.s32 @!p0 $0x1;
	_ =	shalt  }
.Lfunc_end2:
_tile_overlayer_lowered:
.L_overlay_start_2:
0x9a: {  	(tag) =	ssettag $0x2  }
0x9b: {  	s0 =	rddreg [dreg:$0x0];
	s2 =	stileid.u32  }
0x9c: {  	s1 =	rddreg [dreg:$0x1];
	p0 =	sne.s32 s2, $0x0  }
0x9d: {  	s3 =	rddreg [dreg:$0x2];
	[bflag:$0x3] =	sbarrier.arrive $0xFFFF;
	s2 =	simm.s32 @!p0 $0x1C02  }
0x9e: {  	[timem:s3], [sflag:s2] =	dma.local @!p0 [hbm:s0], s1  }
0x9f: {  	s0 =	simm.s32 @!p0 $0x2  }
0xa0: {  	_ =	swait.ge @!p0 [sflag:s0], s1  }
0xa1: {  	s1 =	ssub.s32 @!p0 $0x0, s1;
	[sflag:s0] =	ssyncset.done @!p0 $0x0  }
0xa2: {  	[sflag:s0] =	ssyncadd.s32 @!p0 s1  }
0xa3: {  	[bflag:$0x3] =	sbarrier.arrive $0xFFFF  }
0xa4: {  	_ =	shalt  }

</sc_bundles>
